<compile_context>
chip_gen: v7x
topology: tpu7x:2x2x1
jax: 0.10.2.dev20260603
libtpu: 0.0.44.dev20260713+nightly
codegen_flags: <defaults>
</compile_context>

<pallas_src>
import functools

import jax
import jax.numpy as jnp
from jax import lax
from jax.experimental import pallas as pl
from jax.experimental.pallas import tpu as pltpu
from jax.experimental.pallas import tpu_sc as plsc

B, N, D = 4, 4096, 2048
NWORKERS = 32
STRIPS = NWORKERS // B
CW = D // STRIPS
NG = CW // 16
R = 32
NCHUNK = N // R
NB = 4


def _cumsum_sc(x):
    mesh = plsc.VectorSubcoreMesh(
        core_axis_name="c", subcore_axis_name="s", num_cores=2,
        num_subcores=16)

    @functools.partial(
        pl.kernel,
        out_type=jax.ShapeDtypeStruct((B, N, D), jnp.float32),
        mesh=mesh,
        scratch_types=(
            [pltpu.VMEM((R, CW), jnp.float32) for _ in range(2 * NB)]
            + [pltpu.SemaphoreType.DMA for _ in range(2 * NB)]
        ),
        compiler_params=pltpu.CompilerParams(
            use_tc_tiling_on_sc=True, needs_layout_passes=False),
    )
    def kern(x_hbm, out_hbm, *sc):
        bufs, sems = sc[:2 * NB], sc[2 * NB:]
        inbufs, outbufs = bufs[:NB], bufs[NB:]
        sin, sout = sems[:NB], sems[NB:]
        wid = lax.axis_index("s") * 2 + lax.axis_index("c")
        b = wid // STRIPS
        c0 = (wid % STRIPS) * CW

        def in_copy(k, ib):
            return pltpu.make_async_copy(
                x_hbm.at[b, pl.ds(k * R, R), pl.ds(c0, CW)],
                inbufs[ib], sin[ib])

        def out_copy(k, ib):
            return pltpu.make_async_copy(
                outbufs[ib],
                out_hbm.at[b, pl.ds(k * R, R), pl.ds(c0, CW)], sout[ib])

        lane = lax.iota(jnp.int32, 16)
        col_idx = tuple(lane + (16 * g) for g in range(NG))

        def process(ib, carry):
            inb, outb = inbufs[ib], outbufs[ib]

            def row(r, carry):
                ridx = jnp.full((16,), r, jnp.int32)
                new = []
                for g in range(NG):
                    v = plsc.load_gather(inb, [ridx, col_idx[g]])
                    plsc.store_scatter(outb, [ridx, col_idx[g]], carry[g])
                    new.append(carry[g] + v)
                return tuple(new)

            return lax.fori_loop(0, R, row, carry)

        def chunk(k, ib, carry):
            in_copy(k, ib).wait()

            @pl.when(k >= NB)
            def _():
                out_copy(k - NB, ib).wait()

            carry = process(ib, carry)
            out_copy(k, ib).start()

            @pl.when(k + NB < NCHUNK)
            def _():
                in_copy(k + NB, ib).start()

            return carry

        carry = tuple(jnp.zeros((16,), jnp.float32) for _ in range(NG))

        for k in range(NB):
            in_copy(k, k).start()

        def body(i, carry):
            for j in range(NB):
                carry = chunk(NB * i + j, j, carry)
            return carry

        carry = lax.fori_loop(0, NCHUNK // NB, body, carry)

        for k in range(NCHUNK - NB, NCHUNK):
            out_copy(k, k % NB).wait()

    return kern(x)


@jax.jit
def kernel(x):
    return _cumsum_sc(x)

# --- scband reference (transcript-rebuilt; emitter-appended) ---
"""Pipeline reference for scband-model-new-5909874999904 (READ-ONLY COPY).

The authoritative reference and input builder live on the scoring server;
editing this copy changes nothing except your own understanding.
"""

import jax, jax.numpy as jnp
import numpy as np
from jax import lax

DIM = 1

def setup_inputs(seed: int = 0) -> dict:
    key = jax.random.key(seed)
    x = jax.random.normal(key, (4, 4096, 2048), dtype=jnp.float32)
    return {"x": x}

def reference(x):
    # exclusive cumulative sum along DIM: out[i] = sum_{k < i} x[k]
    inclusive = jnp.cumsum(x, axis=DIM)
    zeros = jnp.zeros_like(lax.slice_in_dim(x, 0, 1, axis=DIM))
    shifted = lax.slice_in_dim(inclusive, 0, x.shape[DIM] - 1, axis=DIM)
    exclusive = jnp.concatenate([zeros, shifted], axis=DIM)
    return exclusive

if __name__ == "__main__":
    import jax
    _d = setup_inputs()
    print(jax.jit(kernel)(*tuple(_d.values())))

</pallas_src>

<mosaic_0001>
#map = affine_map<(d0, d1) -> (0, 0, 0)>
module attributes {stable_mosaic.version = 14 : i64} {
  func.func @kern(%arg0: i32, %arg1: i32, %arg2: memref<4x4096x2048xf32, #tpu.memory_space<hbm>>, %arg3: memref<4x4096x2048xf32, #tpu.memory_space<hbm>>, %arg4: memref<32x256xf32, #tpu.memory_space<vmem>>, %arg5: memref<32x256xf32, #tpu.memory_space<vmem>>, %arg6: memref<32x256xf32, #tpu.memory_space<vmem>>, %arg7: memref<32x256xf32, #tpu.memory_space<vmem>>, %arg8: memref<32x256xf32, #tpu.memory_space<vmem>>, %arg9: memref<32x256xf32, #tpu.memory_space<vmem>>, %arg10: memref<32x256xf32, #tpu.memory_space<vmem>>, %arg11: memref<32x256xf32, #tpu.memory_space<vmem>>, %arg12: memref<!tpu.dma_semaphore, #tpu.memory_space<semaphore_mem>>, %arg13: memref<!tpu.dma_semaphore, #tpu.memory_space<semaphore_mem>>, %arg14: memref<!tpu.dma_semaphore, #tpu.memory_space<semaphore_mem>>, %arg15: memref<!tpu.dma_semaphore, #tpu.memory_space<semaphore_mem>>, %arg16: memref<!tpu.dma_semaphore, #tpu.memory_space<semaphore_mem>>, %arg17: memref<!tpu.dma_semaphore, #tpu.memory_space<semaphore_mem>>, %arg18: memref<!tpu.dma_semaphore, #tpu.memory_space<semaphore_mem>>, %arg19: memref<!tpu.dma_semaphore, #tpu.memory_space<semaphore_mem>>) attributes {dimension_semantics = [#tpu.dimension_semantics<core_parallel>, #tpu.dimension_semantics<subcore_parallel>], iteration_bounds = array<i64: 2, 16>, scalar_prefetch = 0 : i64, scratch_operands = 16 : i64, tpu.core_type = #tpu.core_type<sc_vector_subcore>, window_params = [{transform_indices = #map}, {transform_indices = #map}]} {
    %mul3A = arith.constant 2 : i32
    %mul3A_0 = arith.muli %arg1, %mul3A : i32
    %add3A = arith.addi %mul3A_0, %arg0 : i32
    %jit3A = arith.constant 8 : i32
    %div3A = arith.divsi %add3A, %jit3A : i32
    %sign3A = arith.constant 0 : i32
    %sign3A_1 = arith.cmpi sgt, %add3A, %sign3A : i32
    %sign3A_2 = arith.extui %sign3A_1 : i1 to i32
    %sign3A_3 = arith.constant 0 : i32
    %sign3A_4 = arith.cmpi slt, %add3A, %sign3A_3 : i32
    %sign3A_5 = arith.extui %sign3A_4 : i1 to i32
    %sign3A_6 = arith.subi %sign3A_2, %sign3A_5 : i32
    %sign3A_7 = arith.constant 0 : i32
    %sign3A_8 = arith.cmpi sgt, %jit3A, %sign3A_7 : i32
    %sign3A_9 = arith.extui %sign3A_8 : i1 to i32
    %sign3A_10 = arith.constant 0 : i32
    %sign3A_11 = arith.cmpi slt, %jit3A, %sign3A_10 : i32
    %sign3A_12 = arith.extui %sign3A_11 : i1 to i32
    %sign3A_13 = arith.subi %sign3A_9, %sign3A_12 : i32
    %ne3A = arith.cmpi ne, %sign3A_6, %sign3A_13 : i32
    %rem3A = arith.remsi %add3A, %jit3A : i32
    %ne3A_14 = arith.constant 0 : i32
    %ne3A_15 = arith.cmpi ne, %rem3A, %ne3A_14 : i32
    %and3A = arith.andi %ne3A, %ne3A_15 : i1
    %sub3A = arith.constant 1 : i32
    %sub3A_16 = arith.subi %div3A, %sub3A : i32
    %select_n3A = arith.select %and3A, %sub3A_16, %div3A : i32
    %jit3A_17 = arith.constant 8 : i32
    %eq3A = arith.constant 0 : i32
    %eq3A_18 = arith.cmpi eq, %jit3A_17, %eq3A : i32
    %jit3A_19 = arith.constant 1 : i32
    %select_n3A_20 = arith.select %eq3A_18, %jit3A_19, %jit3A_17 : i32
    %rem3A_21 = arith.remsi %add3A, %select_n3A_20 : i32
    %ne3A_22 = arith.constant 0 : i32
    %ne3A_23 = arith.cmpi ne, %rem3A_21, %ne3A_22 : i32
    %lt3A = arith.constant 0 : i32
    %lt3A_24 = arith.cmpi slt, %rem3A_21, %lt3A : i32
    %lt3A_25 = arith.constant 0 : i32
    %lt3A_26 = arith.cmpi slt, %select_n3A_20, %lt3A_25 : i32
    %ne3A_27 = arith.xori %lt3A_24, %lt3A_26 : i1
    %and3A_28 = arith.andi %ne3A_27, %ne3A_23 : i1
    %add3A_29 = arith.addi %rem3A_21, %select_n3A_20 : i32
    %select_n3A_30 = arith.select %and3A_28, %add3A_29, %rem3A_21 : i32
    %mul3A_31 = arith.constant 256 : i32
    %mul3A_32 = arith.muli %select_n3A_30, %mul3A_31 : i32
    %iota3A = tpu.iota {dimensions = array<i32: 0>} : vector<16xi32>
    %add3A_33 = arith.constant 0 : i32
    %add3A_34 = vector.broadcast %add3A_33 : i32 to vector<16xi32>
    %add3A_35 = arith.addi %iota3A, %add3A_34 : vector<16xi32>
    %add3A_36 = arith.constant 16 : i32
    %add3A_37 = vector.broadcast %add3A_36 : i32 to vector<16xi32>
    %add3A_38 = arith.addi %iota3A, %add3A_37 : vector<16xi32>
    %add3A_39 = arith.constant 32 : i32
    %add3A_40 = vector.broadcast %add3A_39 : i32 to vector<16xi32>
    %add3A_41 = arith.addi %iota3A, %add3A_40 : vector<16xi32>
    %add3A_42 = arith.constant 48 : i32
    %add3A_43 = vector.broadcast %add3A_42 : i32 to vector<16xi32>
    %add3A_44 = arith.addi %iota3A, %add3A_43 : vector<16xi32>
    %add3A_45 = arith.constant 64 : i32
    %add3A_46 = vector.broadcast %add3A_45 : i32 to vector<16xi32>
    %add3A_47 = arith.addi %iota3A, %add3A_46 : vector<16xi32>
    %add3A_48 = arith.constant 80 : i32
    %add3A_49 = vector.broadcast %add3A_48 : i32 to vector<16xi32>
    %add3A_50 = arith.addi %iota3A, %add3A_49 : vector<16xi32>
    %add3A_51 = arith.constant 96 : i32
    %add3A_52 = vector.broadcast %add3A_51 : i32 to vector<16xi32>
    %add3A_53 = arith.addi %iota3A, %add3A_52 : vector<16xi32>
    %add3A_54 = arith.constant 112 : i32
    %add3A_55 = vector.broadcast %add3A_54 : i32 to vector<16xi32>
    %add3A_56 = arith.addi %iota3A, %add3A_55 : vector<16xi32>
    %add3A_57 = arith.constant 128 : i32
    %add3A_58 = vector.broadcast %add3A_57 : i32 to vector<16xi32>
    %add3A_59 = arith.addi %iota3A, %add3A_58 : vector<16xi32>
    %add3A_60 = arith.constant 144 : i32
    %add3A_61 = vector.broadcast %add3A_60 : i32 to vector<16xi32>
    %add3A_62 = arith.addi %iota3A, %add3A_61 : vector<16xi32>
    %add3A_63 = arith.constant 160 : i32
    %add3A_64 = vector.broadcast %add3A_63 : i32 to vector<16xi32>
    %add3A_65 = arith.addi %iota3A, %add3A_64 : vector<16xi32>
    %add3A_66 = arith.constant 176 : i32
    %add3A_67 = vector.broadcast %add3A_66 : i32 to vector<16xi32>
    %add3A_68 = arith.addi %iota3A, %add3A_67 : vector<16xi32>
    %add3A_69 = arith.constant 192 : i32
    %add3A_70 = vector.broadcast %add3A_69 : i32 to vector<16xi32>
    %add3A_71 = arith.addi %iota3A, %add3A_70 : vector<16xi32>
    %add3A_72 = arith.constant 208 : i32
    %add3A_73 = vector.broadcast %add3A_72 : i32 to vector<16xi32>
    %add3A_74 = arith.addi %iota3A, %add3A_73 : vector<16xi32>
    %add3A_75 = arith.constant 224 : i32
    %add3A_76 = vector.broadcast %add3A_75 : i32 to vector<16xi32>
    %add3A_77 = arith.addi %iota3A, %add3A_76 : vector<16xi32>
    %add3A_78 = arith.constant 240 : i32
    %add3A_79 = vector.broadcast %add3A_78 : i32 to vector<16xi32>
    %add3A_80 = arith.addi %iota3A, %add3A_79 : vector<16xi32>
    %broadcast_in_dim3A = arith.constant 0.000000e+00 : f32
    %broadcast_in_dim3A_81 = vector.broadcast %broadcast_in_dim3A : f32 to vector<16xf32>
    %broadcast_in_dim3A_82 = arith.constant 0.000000e+00 : f32
    %broadcast_in_dim3A_83 = vector.broadcast %broadcast_in_dim3A_82 : f32 to vector<16xf32>
    %broadcast_in_dim3A_84 = arith.constant 0.000000e+00 : f32
    %broadcast_in_dim3A_85 = vector.broadcast %broadcast_in_dim3A_84 : f32 to vector<16xf32>
    %broadcast_in_dim3A_86 = arith.constant 0.000000e+00 : f32
    %broadcast_in_dim3A_87 = vector.broadcast %broadcast_in_dim3A_86 : f32 to vector<16xf32>
    %broadcast_in_dim3A_88 = arith.constant 0.000000e+00 : f32
    %broadcast_in_dim3A_89 = vector.broadcast %broadcast_in_dim3A_88 : f32 to vector<16xf32>
    %broadcast_in_dim3A_90 = arith.constant 0.000000e+00 : f32
    %broadcast_in_dim3A_91 = vector.broadcast %broadcast_in_dim3A_90 : f32 to vector<16xf32>
    %broadcast_in_dim3A_92 = arith.constant 0.000000e+00 : f32
    %broadcast_in_dim3A_93 = vector.broadcast %broadcast_in_dim3A_92 : f32 to vector<16xf32>
    %broadcast_in_dim3A_94 = arith.constant 0.000000e+00 : f32
    %broadcast_in_dim3A_95 = vector.broadcast %broadcast_in_dim3A_94 : f32 to vector<16xf32>
    %broadcast_in_dim3A_96 = arith.constant 0.000000e+00 : f32
    %broadcast_in_dim3A_97 = vector.broadcast %broadcast_in_dim3A_96 : f32 to vector<16xf32>
    %broadcast_in_dim3A_98 = arith.constant 0.000000e+00 : f32
    %broadcast_in_dim3A_99 = vector.broadcast %broadcast_in_dim3A_98 : f32 to vector<16xf32>
    %broadcast_in_dim3A_100 = arith.constant 0.000000e+00 : f32
    %broadcast_in_dim3A_101 = vector.broadcast %broadcast_in_dim3A_100 : f32 to vector<16xf32>
    %broadcast_in_dim3A_102 = arith.constant 0.000000e+00 : f32
    %broadcast_in_dim3A_103 = vector.broadcast %broadcast_in_dim3A_102 : f32 to vector<16xf32>
    %broadcast_in_dim3A_104 = arith.constant 0.000000e+00 : f32
    %broadcast_in_dim3A_105 = vector.broadcast %broadcast_in_dim3A_104 : f32 to vector<16xf32>
    %broadcast_in_dim3A_106 = arith.constant 0.000000e+00 : f32
    %broadcast_in_dim3A_107 = vector.broadcast %broadcast_in_dim3A_106 : f32 to vector<16xf32>
    %broadcast_in_dim3A_108 = arith.constant 0.000000e+00 : f32
    %broadcast_in_dim3A_109 = vector.broadcast %broadcast_in_dim3A_108 : f32 to vector<16xf32>
    %broadcast_in_dim3A_110 = arith.constant 0.000000e+00 : f32
    %broadcast_in_dim3A_111 = vector.broadcast %broadcast_in_dim3A_110 : f32 to vector<16xf32>
    %dma_start3A = arith.constant 0 : i32
    %dma_start3A_112 = tpu.memref_slice %arg2[%select_n3A, %dma_start3A, %mul3A_32] : memref<4x4096x2048xf32, #tpu.memory_space<hbm>> -> memref<1x32x256xf32, #tpu.memory_space<hbm>>
    %dma_start3A_113 = tpu.memref_squeeze %dma_start3A_112 : memref<1x32x256xf32, #tpu.memory_space<hbm>> -> memref<32x256xf32, #tpu.memory_space<hbm>>
    %dma_start3A_114 = arith.constant 0 : i32
    %dma_start3A_115 = tpu.memref_slice %arg2[%select_n3A, %dma_start3A_114, %mul3A_32] : memref<4x4096x2048xf32, #tpu.memory_space<hbm>> -> memref<1x32x256xf32, #tpu.memory_space<hbm>>
    %dma_start3A_116 = tpu.memref_squeeze %dma_start3A_115 : memref<1x32x256xf32, #tpu.memory_space<hbm>> -> memref<32x256xf32, #tpu.memory_space<hbm>>
    tpu.enqueue_dma source(%dma_start3A_116 : memref<32x256xf32, #tpu.memory_space<hbm>>) target(%arg4 : memref<32x256xf32, #tpu.memory_space<vmem>>) target_semaphore(%arg12 : memref<!tpu.dma_semaphore, #tpu.memory_space<semaphore_mem>>)
    %dma_start3A_117 = arith.constant 32 : i32
    %dma_start3A_118 = tpu.memref_slice %arg2[%select_n3A, %dma_start3A_117, %mul3A_32] : memref<4x4096x2048xf32, #tpu.memory_space<hbm>> -> memref<1x32x256xf32, #tpu.memory_space<hbm>>
    %dma_start3A_119 = tpu.memref_squeeze %dma_start3A_118 : memref<1x32x256xf32, #tpu.memory_space<hbm>> -> memref<32x256xf32, #tpu.memory_space<hbm>>
    %dma_start3A_120 = arith.constant 32 : i32
    %dma_start3A_121 = tpu.memref_slice %arg2[%select_n3A, %dma_start3A_120, %mul3A_32] : memref<4x4096x2048xf32, #tpu.memory_space<hbm>> -> memref<1x32x256xf32, #tpu.memory_space<hbm>>
    %dma_start3A_122 = tpu.memref_squeeze %dma_start3A_121 : memref<1x32x256xf32, #tpu.memory_space<hbm>> -> memref<32x256xf32, #tpu.memory_space<hbm>>
    tpu.enqueue_dma source(%dma_start3A_122 : memref<32x256xf32, #tpu.memory_space<hbm>>) target(%arg5 : memref<32x256xf32, #tpu.memory_space<vmem>>) target_semaphore(%arg13 : memref<!tpu.dma_semaphore, #tpu.memory_space<semaphore_mem>>)
    %dma_start3A_123 = arith.constant 64 : i32
    %dma_start3A_124 = tpu.memref_slice %arg2[%select_n3A, %dma_start3A_123, %mul3A_32] : memref<4x4096x2048xf32, #tpu.memory_space<hbm>> -> memref<1x32x256xf32, #tpu.memory_space<hbm>>
    %dma_start3A_125 = tpu.memref_squeeze %dma_start3A_124 : memref<1x32x256xf32, #tpu.memory_space<hbm>> -> memref<32x256xf32, #tpu.memory_space<hbm>>
    %dma_start3A_126 = arith.constant 64 : i32
    %dma_start3A_127 = tpu.memref_slice %arg2[%select_n3A, %dma_start3A_126, %mul3A_32] : memref<4x4096x2048xf32, #tpu.memory_space<hbm>> -> memref<1x32x256xf32, #tpu.memory_space<hbm>>
    %dma_start3A_128 = tpu.memref_squeeze %dma_start3A_127 : memref<1x32x256xf32, #tpu.memory_space<hbm>> -> memref<32x256xf32, #tpu.memory_space<hbm>>
    tpu.enqueue_dma source(%dma_start3A_128 : memref<32x256xf32, #tpu.memory_space<hbm>>) target(%arg6 : memref<32x256xf32, #tpu.memory_space<vmem>>) target_semaphore(%arg14 : memref<!tpu.dma_semaphore, #tpu.memory_space<semaphore_mem>>)
    %dma_start3A_129 = arith.constant 96 : i32
    %dma_start3A_130 = tpu.memref_slice %arg2[%select_n3A, %dma_start3A_129, %mul3A_32] : memref<4x4096x2048xf32, #tpu.memory_space<hbm>> -> memref<1x32x256xf32, #tpu.memory_space<hbm>>
    %dma_start3A_131 = tpu.memref_squeeze %dma_start3A_130 : memref<1x32x256xf32, #tpu.memory_space<hbm>> -> memref<32x256xf32, #tpu.memory_space<hbm>>
    %dma_start3A_132 = arith.constant 96 : i32
    %dma_start3A_133 = tpu.memref_slice %arg2[%select_n3A, %dma_start3A_132, %mul3A_32] : memref<4x4096x2048xf32, #tpu.memory_space<hbm>> -> memref<1x32x256xf32, #tpu.memory_space<hbm>>
    %dma_start3A_134 = tpu.memref_squeeze %dma_start3A_133 : memref<1x32x256xf32, #tpu.memory_space<hbm>> -> memref<32x256xf32, #tpu.memory_space<hbm>>
    tpu.enqueue_dma source(%dma_start3A_134 : memref<32x256xf32, #tpu.memory_space<hbm>>) target(%arg7 : memref<32x256xf32, #tpu.memory_space<vmem>>) target_semaphore(%arg15 : memref<!tpu.dma_semaphore, #tpu.memory_space<semaphore_mem>>)
    %scan3A = arith.constant 0 : i32
    %scan3A_135 = arith.constant 32 : i32
    %scan3A_136 = arith.addi %scan3A, %scan3A_135 : i32
    %scan3A_137 = arith.constant 1 : i32
    %scan3A_138:16 = scf.for %scan3A_163 = %scan3A to %scan3A_136 step %scan3A_137 iter_args(%scan3A_164 = %broadcast_in_dim3A_81, %scan3A_165 = %broadcast_in_dim3A_83, %scan3A_166 = %broadcast_in_dim3A_85, %scan3A_167 = %broadcast_in_dim3A_87, %scan3A_168 = %broadcast_in_dim3A_89, %scan3A_169 = %broadcast_in_dim3A_91, %scan3A_170 = %broadcast_in_dim3A_93, %scan3A_171 = %broadcast_in_dim3A_95, %scan3A_172 = %broadcast_in_dim3A_97, %scan3A_173 = %broadcast_in_dim3A_99, %scan3A_174 = %broadcast_in_dim3A_101, %scan3A_175 = %broadcast_in_dim3A_103, %scan3A_176 = %broadcast_in_dim3A_105, %scan3A_177 = %broadcast_in_dim3A_107, %scan3A_178 = %broadcast_in_dim3A_109, %scan3A_179 = %broadcast_in_dim3A_111) -> (vector<16xf32>, vector<16xf32>, vector<16xf32>, vector<16xf32>, vector<16xf32>, vector<16xf32>, vector<16xf32>, vector<16xf32>, vector<16xf32>, vector<16xf32>, vector<16xf32>, vector<16xf32>, vector<16xf32>, vector<16xf32>, vector<16xf32>, vector<16xf32>)  : i32 {
      %mul3A_180 = arith.constant 4 : i32
      %mul3A_181 = arith.muli %mul3A_180, %scan3A_163 : i32
      %add3A_182 = arith.constant 0 : i32
      %add3A_183 = arith.addi %mul3A_181, %add3A_182 : i32
      %mul3A_184 = arith.constant 32 : i32
      %mul3A_185 = arith.muli %add3A_183, %mul3A_184 : i32
      %dma_wait3A_186 = tpu.memref_slice %arg2[%select_n3A, %mul3A_185, %mul3A_32] : memref<4x4096x2048xf32, #tpu.memory_space<hbm>> -> memref<1x32x256xf32, #tpu.memory_space<hbm>>
      %dma_wait3A_187 = tpu.memref_squeeze %dma_wait3A_186 : memref<1x32x256xf32, #tpu.memory_space<hbm>> -> memref<32x256xf32, #tpu.memory_space<hbm>>
      %dma_wait3A_188 = tpu.memref_slice %arg2[%select_n3A, %mul3A_185, %mul3A_32] : memref<4x4096x2048xf32, #tpu.memory_space<hbm>> -> memref<1x32x256xf32, #tpu.memory_space<hbm>>
      %dma_wait3A_189 = tpu.memref_squeeze %dma_wait3A_188 : memref<1x32x256xf32, #tpu.memory_space<hbm>> -> memref<32x256xf32, #tpu.memory_space<hbm>>
      tpu.wait_dma2 semaphore(%arg12 : memref<!tpu.dma_semaphore, #tpu.memory_space<semaphore_mem>>) src(%dma_wait3A_189 : memref<32x256xf32, #tpu.memory_space<hbm>>) dst(%arg4 : memref<32x256xf32, #tpu.memory_space<vmem>>)
      %ge3A = arith.constant 4 : i32
      %ge3A_190 = arith.cmpi sge, %add3A_183, %ge3A : i32
      %convert_element_type3A = arith.extui %ge3A_190 : i1 to i32
      %cond3A = arith.constant 0 : i32
      %cond3A_191 = arith.cmpi ne, %convert_element_type3A, %cond3A : i32
      scf.if %cond3A_191 {
        %sub3A_313 = arith.constant 4 : i32
        %sub3A_314 = arith.subi %add3A_183, %sub3A_313 : i32
        %mul3A_315 = arith.constant 32 : i32
        %mul3A_316 = arith.muli %sub3A_314, %mul3A_315 : i32
        %dma_wait3A_317 = tpu.memref_slice %arg3[%select_n3A, %mul3A_316, %mul3A_32] : memref<4x4096x2048xf32, #tpu.memory_space<hbm>> -> memref<1x32x256xf32, #tpu.memory_space<hbm>>
        %dma_wait3A_318 = tpu.memref_squeeze %dma_wait3A_317 : memref<1x32x256xf32, #tpu.memory_space<hbm>> -> memref<32x256xf32, #tpu.memory_space<hbm>>
        %dma_wait3A_319 = tpu.memref_slice %arg3[%select_n3A, %mul3A_316, %mul3A_32] : memref<4x4096x2048xf32, #tpu.memory_space<hbm>> -> memref<1x32x256xf32, #tpu.memory_space<hbm>>
        %dma_wait3A_320 = tpu.memref_squeeze %dma_wait3A_319 : memref<1x32x256xf32, #tpu.memory_space<hbm>> -> memref<32x256xf32, #tpu.memory_space<hbm>>
        tpu.wait_dma2 semaphore(%arg16 : memref<!tpu.dma_semaphore, #tpu.memory_space<semaphore_mem>>) src(%arg8 : memref<32x256xf32, #tpu.memory_space<vmem>>) dst(%dma_wait3A_320 : memref<32x256xf32, #tpu.memory_space<hbm>>)
      } else {
      }
      %scan3A_192 = arith.constant 0 : i32
      %scan3A_193 = arith.constant 32 : i32
      %scan3A_194 = arith.addi %scan3A_192, %scan3A_193 : i32
      %scan3A_195 = arith.constant 1 : i32
      %scan3A_196:16 = scf.for %scan3A_313 = %scan3A_192 to %scan3A_194 step %scan3A_195 iter_args(%scan3A_314 = %scan3A_164, %scan3A_315 = %scan3A_165, %scan3A_316 = %scan3A_166, %scan3A_317 = %scan3A_167, %scan3A_318 = %scan3A_168, %scan3A_319 = %scan3A_169, %scan3A_320 = %scan3A_170, %scan3A_321 = %scan3A_171, %scan3A_322 = %scan3A_172, %scan3A_323 = %scan3A_173, %scan3A_324 = %scan3A_174, %scan3A_325 = %scan3A_175, %scan3A_326 = %scan3A_176, %scan3A_327 = %scan3A_177, %scan3A_328 = %scan3A_178, %scan3A_329 = %scan3A_179) -> (vector<16xf32>, vector<16xf32>, vector<16xf32>, vector<16xf32>, vector<16xf32>, vector<16xf32>, vector<16xf32>, vector<16xf32>, vector<16xf32>, vector<16xf32>, vector<16xf32>, vector<16xf32>, vector<16xf32>, vector<16xf32>, vector<16xf32>, vector<16xf32>)  : i32 {
        %broadcast_in_dim3A_330 = vector.broadcast %scan3A_313 : i32 to vector<16xi32>
        %gather3A = tpu.vector_load_idx %arg4[%broadcast_in_dim3A_330, %add3A_35] : memref<32x256xf32, #tpu.memory_space<vmem>>[vector<16xi32>, vector<16xi32>], vector<16xf32>,
        tpu.vector_store_idx %arg8[%broadcast_in_dim3A_330, %add3A_35], %scan3A_314 : memref<32x256xf32, #tpu.memory_space<vmem>>[vector<16xi32>, vector<16xi32>], vector<16xf32>,
        %add3A_331 = arith.addf %scan3A_314, %gather3A : vector<16xf32>
        %gather3A_332 = tpu.vector_load_idx %arg4[%broadcast_in_dim3A_330, %add3A_38] : memref<32x256xf32, #tpu.memory_space<vmem>>[vector<16xi32>, vector<16xi32>], vector<16xf32>,
        tpu.vector_store_idx %arg8[%broadcast_in_dim3A_330, %add3A_38], %scan3A_315 : memref<32x256xf32, #tpu.memory_space<vmem>>[vector<16xi32>, vector<16xi32>], vector<16xf32>,
        %add3A_333 = arith.addf %scan3A_315, %gather3A_332 : vector<16xf32>
        %gather3A_334 = tpu.vector_load_idx %arg4[%broadcast_in_dim3A_330, %add3A_41] : memref<32x256xf32, #tpu.memory_space<vmem>>[vector<16xi32>, vector<16xi32>], vector<16xf32>,
        tpu.vector_store_idx %arg8[%broadcast_in_dim3A_330, %add3A_41], %scan3A_316 : memref<32x256xf32, #tpu.memory_space<vmem>>[vector<16xi32>, vector<16xi32>], vector<16xf32>,
        %add3A_335 = arith.addf %scan3A_316, %gather3A_334 : vector<16xf32>
        %gather3A_336 = tpu.vector_load_idx %arg4[%broadcast_in_dim3A_330, %add3A_44] : memref<32x256xf32, #tpu.memory_space<vmem>>[vector<16xi32>, vector<16xi32>], vector<16xf32>,
        tpu.vector_store_idx %arg8[%broadcast_in_dim3A_330, %add3A_44], %scan3A_317 : memref<32x256xf32, #tpu.memory_space<vmem>>[vector<16xi32>, vector<16xi32>], vector<16xf32>,
        %add3A_337 = arith.addf %scan3A_317, %gather3A_336 : vector<16xf32>
        %gather3A_338 = tpu.vector_load_idx %arg4[%broadcast_in_dim3A_330, %add3A_47] : memref<32x256xf32, #tpu.memory_space<vmem>>[vector<16xi32>, vector<16xi32>], vector<16xf32>,
        tpu.vector_store_idx %arg8[%broadcast_in_dim3A_330, %add3A_47], %scan3A_318 : memref<32x256xf32, #tpu.memory_space<vmem>>[vector<16xi32>, vector<16xi32>], vector<16xf32>,
        %add3A_339 = arith.addf %scan3A_318, %gather3A_338 : vector<16xf32>
        %gather3A_340 = tpu.vector_load_idx %arg4[%broadcast_in_dim3A_330, %add3A_50] : memref<32x256xf32, #tpu.memory_space<vmem>>[vector<16xi32>, vector<16xi32>], vector<16xf32>,
        tpu.vector_store_idx %arg8[%broadcast_in_dim3A_330, %add3A_50], %scan3A_319 : memref<32x256xf32, #tpu.memory_space<vmem>>[vector<16xi32>, vector<16xi32>], vector<16xf32>,
        %add3A_341 = arith.addf %scan3A_319, %gather3A_340 : vector<16xf32>
        %gather3A_342 = tpu.vector_load_idx %arg4[%broadcast_in_dim3A_330, %add3A_53] : memref<32x256xf32, #tpu.memory_space<vmem>>[vector<16xi32>, vector<16xi32>], vector<16xf32>,
        tpu.vector_store_idx %arg8[%broadcast_in_dim3A_330, %add3A_53], %scan3A_320 : memref<32x256xf32, #tpu.memory_space<vmem>>[vector<16xi32>, vector<16xi32>], vector<16xf32>,
        %add3A_343 = arith.addf %scan3A_320, %gather3A_342 : vector<16xf32>
        %gather3A_344 = tpu.vector_load_idx %arg4[%broadcast_in_dim3A_330, %add3A_56] : memref<32x256xf32, #tpu.memory_space<vmem>>[vector<16xi32>, vector<16xi32>], vector<16xf32>,
        tpu.vector_store_idx %arg8[%broadcast_in_dim3A_330, %add3A_56], %scan3A_321 : memref<32x256xf32, #tpu.memory_space<vmem>>[vector<16xi32>, vector<16xi32>], vector<16xf32>,
        %add3A_345 = arith.addf %scan3A_321, %gather3A_344 : vector<16xf32>
        %gather3A_346 = tpu.vector_load_idx %arg4[%broadcast_in_dim3A_330, %add3A_59] : memref<32x256xf32, #tpu.memory_space<vmem>>[vector<16xi32>, vector<16xi32>], vector<16xf32>,
        tpu.vector_store_idx %arg8[%broadcast_in_dim3A_330, %add3A_59], %scan3A_322 : memref<32x256xf32, #tpu.memory_space<vmem>>[vector<16xi32>, vector<16xi32>], vector<16xf32>,
        %add3A_347 = arith.addf %scan3A_322, %gather3A_346 : vector<16xf32>
        %gather3A_348 = tpu.vector_load_idx %arg4[%broadcast_in_dim3A_330, %add3A_62] : memref<32x256xf32, #tpu.memory_space<vmem>>[vector<16xi32>, vector<16xi32>], vector<16xf32>,
        tpu.vector_store_idx %arg8[%broadcast_in_dim3A_330, %add3A_62], %scan3A_323 : memref<32x256xf32, #tpu.memory_space<vmem>>[vector<16xi32>, vector<16xi32>], vector<16xf32>,
        %add3A_349 = arith.addf %scan3A_323, %gather3A_348 : vector<16xf32>
        %gather3A_350 = tpu.vector_load_idx %arg4[%broadcast_in_dim3A_330, %add3A_65] : memref<32x256xf32, #tpu.memory_space<vmem>>[vector<16xi32>, vector<16xi32>], vector<16xf32>,
        tpu.vector_store_idx %arg8[%broadcast_in_dim3A_330, %add3A_65], %scan3A_324 : memref<32x256xf32, #tpu.memory_space<vmem>>[vector<16xi32>, vector<16xi32>], vector<16xf32>,
        %add3A_351 = arith.addf %scan3A_324, %gather3A_350 : vector<16xf32>
        %gather3A_352 = tpu.vector_load_idx %arg4[%broadcast_in_dim3A_330, %add3A_68] : memref<32x256xf32, #tpu.memory_space<vmem>>[vector<16xi32>, vector<16xi32>], vector<16xf32>,
        tpu.vector_store_idx %arg8[%broadcast_in_dim3A_330, %add3A_68], %scan3A_325 : memref<32x256xf32, #tpu.memory_space<vmem>>[vector<16xi32>, vector<16xi32>], vector<16xf32>,
        %add3A_353 = arith.addf %scan3A_325, %gather3A_352 : vector<16xf32>
        %gather3A_354 = tpu.vector_load_idx %arg4[%broadcast_in_dim3A_330, %add3A_71] : memref<32x256xf32, #tpu.memory_space<vmem>>[vector<16xi32>, vector<16xi32>], vector<16xf32>,
        tpu.vector_store_idx %arg8[%broadcast_in_dim3A_330, %add3A_71], %scan3A_326 : memref<32x256xf32, #tpu.memory_space<vmem>>[vector<16xi32>, vector<16xi32>], vector<16xf32>,
        %add3A_355 = arith.addf %scan3A_326, %gather3A_354 : vector<16xf32>
        %gather3A_356 = tpu.vector_load_idx %arg4[%broadcast_in_dim3A_330, %add3A_74] : memref<32x256xf32, #tpu.memory_space<vmem>>[vector<16xi32>, vector<16xi32>], vector<16xf32>,
        tpu.vector_store_idx %arg8[%broadcast_in_dim3A_330, %add3A_74], %scan3A_327 : memref<32x256xf32, #tpu.memory_space<vmem>>[vector<16xi32>, vector<16xi32>], vector<16xf32>,
        %add3A_357 = arith.addf %scan3A_327, %gather3A_356 : vector<16xf32>
        %gather3A_358 = tpu.vector_load_idx %arg4[%broadcast_in_dim3A_330, %add3A_77] : memref<32x256xf32, #tpu.memory_space<vmem>>[vector<16xi32>, vector<16xi32>], vector<16xf32>,
        tpu.vector_store_idx %arg8[%broadcast_in_dim3A_330, %add3A_77], %scan3A_328 : memref<32x256xf32, #tpu.memory_space<vmem>>[vector<16xi32>, vector<16xi32>], vector<16xf32>,
        %add3A_359 = arith.addf %scan3A_328, %gather3A_358 : vector<16xf32>
        %gather3A_360 = tpu.vector_load_idx %arg4[%broadcast_in_dim3A_330, %add3A_80] : memref<32x256xf32, #tpu.memory_space<vmem>>[vector<16xi32>, vector<16xi32>], vector<16xf32>,
        tpu.vector_store_idx %arg8[%broadcast_in_dim3A_330, %add3A_80], %scan3A_329 : memref<32x256xf32, #tpu.memory_space<vmem>>[vector<16xi32>, vector<16xi32>], vector<16xf32>,
        %add3A_361 = arith.addf %scan3A_329, %gather3A_360 : vector<16xf32>
        scf.yield %add3A_331, %add3A_333, %add3A_335, %add3A_337, %add3A_339, %add3A_341, %add3A_343, %add3A_345, %add3A_347, %add3A_349, %add3A_351, %add3A_353, %add3A_355, %add3A_357, %add3A_359, %add3A_361 : vector<16xf32>, vector<16xf32>, vector<16xf32>, vector<16xf32>, vector<16xf32>, vector<16xf32>, vector<16xf32>, vector<16xf32>, vector<16xf32>, vector<16xf32>, vector<16xf32>, vector<16xf32>, vector<16xf32>, vector<16xf32>, vector<16xf32>, vector<16xf32>
      }
      %scan3A_197 = arith.constant 32 : i32
      %mul3A_198 = arith.constant 32 : i32
      %mul3A_199 = arith.muli %add3A_183, %mul3A_198 : i32
      %dma_start3A_200 = tpu.memref_slice %arg3[%select_n3A, %mul3A_199, %mul3A_32] : memref<4x4096x2048xf32, #tpu.memory_space<hbm>> -> memref<1x32x256xf32, #tpu.memory_space<hbm>>
      %dma_start3A_201 = tpu.memref_squeeze %dma_start3A_200 : memref<1x32x256xf32, #tpu.memory_space<hbm>> -> memref<32x256xf32, #tpu.memory_space<hbm>>
      %dma_start3A_202 = tpu.memref_slice %arg3[%select_n3A, %mul3A_199, %mul3A_32] : memref<4x4096x2048xf32, #tpu.memory_space<hbm>> -> memref<1x32x256xf32, #tpu.memory_space<hbm>>
      %dma_start3A_203 = tpu.memref_squeeze %dma_start3A_202 : memref<1x32x256xf32, #tpu.memory_space<hbm>> -> memref<32x256xf32, #tpu.memory_space<hbm>>
      tpu.enqueue_dma source(%arg8 : memref<32x256xf32, #tpu.memory_space<vmem>>) target(%dma_start3A_203 : memref<32x256xf32, #tpu.memory_space<hbm>>) target_semaphore(%arg16 : memref<!tpu.dma_semaphore, #tpu.memory_space<semaphore_mem>>)
      %add3A_204 = arith.constant 4 : i32
      %add3A_205 = arith.addi %add3A_183, %add3A_204 : i32
      %lt3A_206 = arith.constant 128 : i32
      %lt3A_207 = arith.cmpi slt, %add3A_205, %lt3A_206 : i32
      %convert_element_type3A_208 = arith.extui %lt3A_207 : i1 to i32
      %cond3A_209 = arith.constant 0 : i32
      %cond3A_210 = arith.cmpi ne, %convert_element_type3A_208, %cond3A_209 : i32
      scf.if %cond3A_210 {
        %add3A_313 = arith.constant 4 : i32
        %add3A_314 = arith.addi %add3A_183, %add3A_313 : i32
        %mul3A_315 = arith.constant 32 : i32
        %mul3A_316 = arith.muli %add3A_314, %mul3A_315 : i32
        %dma_start3A_317 = tpu.memref_slice %arg2[%select_n3A, %mul3A_316, %mul3A_32] : memref<4x4096x2048xf32, #tpu.memory_space<hbm>> -> memref<1x32x256xf32, #tpu.memory_space<hbm>>
        %dma_start3A_318 = tpu.memref_squeeze %dma_start3A_317 : memref<1x32x256xf32, #tpu.memory_space<hbm>> -> memref<32x256xf32, #tpu.memory_space<hbm>>
        %dma_start3A_319 = tpu.memref_slice %arg2[%select_n3A, %mul3A_316, %mul3A_32] : memref<4x4096x2048xf32, #tpu.memory_space<hbm>> -> memref<1x32x256xf32, #tpu.memory_space<hbm>>
        %dma_start3A_320 = tpu.memref_squeeze %dma_start3A_319 : memref<1x32x256xf32, #tpu.memory_space<hbm>> -> memref<32x256xf32, #tpu.memory_space<hbm>>
        tpu.enqueue_dma source(%dma_start3A_320 : memref<32x256xf32, #tpu.memory_space<hbm>>) target(%arg4 : memref<32x256xf32, #tpu.memory_space<vmem>>) target_semaphore(%arg12 : memref<!tpu.dma_semaphore, #tpu.memory_space<semaphore_mem>>)
      } else {
      }
      %mul3A_211 = arith.constant 4 : i32
      %mul3A_212 = arith.muli %mul3A_211, %scan3A_163 : i32
      %add3A_213 = arith.constant 1 : i32
      %add3A_214 = arith.addi %mul3A_212, %add3A_213 : i32
      %mul3A_215 = arith.constant 32 : i32
      %mul3A_216 = arith.muli %add3A_214, %mul3A_215 : i32
      %dma_wait3A_217 = tpu.memref_slice %arg2[%select_n3A, %mul3A_216, %mul3A_32] : memref<4x4096x2048xf32, #tpu.memory_space<hbm>> -> memref<1x32x256xf32, #tpu.memory_space<hbm>>
      %dma_wait3A_218 = tpu.memref_squeeze %dma_wait3A_217 : memref<1x32x256xf32, #tpu.memory_space<hbm>> -> memref<32x256xf32, #tpu.memory_space<hbm>>
      %dma_wait3A_219 = tpu.memref_slice %arg2[%select_n3A, %mul3A_216, %mul3A_32] : memref<4x4096x2048xf32, #tpu.memory_space<hbm>> -> memref<1x32x256xf32, #tpu.memory_space<hbm>>
      %dma_wait3A_220 = tpu.memref_squeeze %dma_wait3A_219 : memref<1x32x256xf32, #tpu.memory_space<hbm>> -> memref<32x256xf32, #tpu.memory_space<hbm>>
      tpu.wait_dma2 semaphore(%arg13 : memref<!tpu.dma_semaphore, #tpu.memory_space<semaphore_mem>>) src(%dma_wait3A_220 : memref<32x256xf32, #tpu.memory_space<hbm>>) dst(%arg5 : memref<32x256xf32, #tpu.memory_space<vmem>>)
      %ge3A_221 = arith.constant 4 : i32
      %ge3A_222 = arith.cmpi sge, %add3A_214, %ge3A_221 : i32
      %convert_element_type3A_223 = arith.extui %ge3A_222 : i1 to i32
      %cond3A_224 = arith.constant 0 : i32
      %cond3A_225 = arith.cmpi ne, %convert_element_type3A_223, %cond3A_224 : i32
      scf.if %cond3A_225 {
        %sub3A_313 = arith.constant 4 : i32
        %sub3A_314 = arith.subi %add3A_214, %sub3A_313 : i32
        %mul3A_315 = arith.constant 32 : i32
        %mul3A_316 = arith.muli %sub3A_314, %mul3A_315 : i32
        %dma_wait3A_317 = tpu.memref_slice %arg3[%select_n3A, %mul3A_316, %mul3A_32] : memref<4x4096x2048xf32, #tpu.memory_space<hbm>> -> memref<1x32x256xf32, #tpu.memory_space<hbm>>
        %dma_wait3A_318 = tpu.memref_squeeze %dma_wait3A_317 : memref<1x32x256xf32, #tpu.memory_space<hbm>> -> memref<32x256xf32, #tpu.memory_space<hbm>>
        %dma_wait3A_319 = tpu.memref_slice %arg3[%select_n3A, %mul3A_316, %mul3A_32] : memref<4x4096x2048xf32, #tpu.memory_space<hbm>> -> memref<1x32x256xf32, #tpu.memory_space<hbm>>
        %dma_wait3A_320 = tpu.memref_squeeze %dma_wait3A_319 : memref<1x32x256xf32, #tpu.memory_space<hbm>> -> memref<32x256xf32, #tpu.memory_space<hbm>>
        tpu.wait_dma2 semaphore(%arg17 : memref<!tpu.dma_semaphore, #tpu.memory_space<semaphore_mem>>) src(%arg9 : memref<32x256xf32, #tpu.memory_space<vmem>>) dst(%dma_wait3A_320 : memref<32x256xf32, #tpu.memory_space<hbm>>)
      } else {
      }
      %scan3A_226 = arith.constant 0 : i32
      %scan3A_227 = arith.constant 32 : i32
      %scan3A_228 = arith.addi %scan3A_226, %scan3A_227 : i32
      %scan3A_229 = arith.constant 1 : i32
      %scan3A_230:16 = scf.for %scan3A_313 = %scan3A_226 to %scan3A_228 step %scan3A_229 iter_args(%scan3A_314 = %scan3A_196#0, %scan3A_315 = %scan3A_196#1, %scan3A_316 = %scan3A_196#2, %scan3A_317 = %scan3A_196#3, %scan3A_318 = %scan3A_196#4, %scan3A_319 = %scan3A_196#5, %scan3A_320 = %scan3A_196#6, %scan3A_321 = %scan3A_196#7, %scan3A_322 = %scan3A_196#8, %scan3A_323 = %scan3A_196#9, %scan3A_324 = %scan3A_196#10, %scan3A_325 = %scan3A_196#11, %scan3A_326 = %scan3A_196#12, %scan3A_327 = %scan3A_196#13, %scan3A_328 = %scan3A_196#14, %scan3A_329 = %scan3A_196#15) -> (vector<16xf32>, vector<16xf32>, vector<16xf32>, vector<16xf32>, vector<16xf32>, vector<16xf32>, vector<16xf32>, vector<16xf32>, vector<16xf32>, vector<16xf32>, vector<16xf32>, vector<16xf32>, vector<16xf32>, vector<16xf32>, vector<16xf32>, vector<16xf32>)  : i32 {
        %broadcast_in_dim3A_330 = vector.broadcast %scan3A_313 : i32 to vector<16xi32>
        %gather3A = tpu.vector_load_idx %arg5[%broadcast_in_dim3A_330, %add3A_35] : memref<32x256xf32, #tpu.memory_space<vmem>>[vector<16xi32>, vector<16xi32>], vector<16xf32>,
        tpu.vector_store_idx %arg9[%broadcast_in_dim3A_330, %add3A_35], %scan3A_314 : memref<32x256xf32, #tpu.memory_space<vmem>>[vector<16xi32>, vector<16xi32>], vector<16xf32>,
        %add3A_331 = arith.addf %scan3A_314, %gather3A : vector<16xf32>
        %gather3A_332 = tpu.vector_load_idx %arg5[%broadcast_in_dim3A_330, %add3A_38] : memref<32x256xf32, #tpu.memory_space<vmem>>[vector<16xi32>, vector<16xi32>], vector<16xf32>,
        tpu.vector_store_idx %arg9[%broadcast_in_dim3A_330, %add3A_38], %scan3A_315 : memref<32x256xf32, #tpu.memory_space<vmem>>[vector<16xi32>, vector<16xi32>], vector<16xf32>,
        %add3A_333 = arith.addf %scan3A_315, %gather3A_332 : vector<16xf32>
        %gather3A_334 = tpu.vector_load_idx %arg5[%broadcast_in_dim3A_330, %add3A_41] : memref<32x256xf32, #tpu.memory_space<vmem>>[vector<16xi32>, vector<16xi32>], vector<16xf32>,
        tpu.vector_store_idx %arg9[%broadcast_in_dim3A_330, %add3A_41], %scan3A_316 : memref<32x256xf32, #tpu.memory_space<vmem>>[vector<16xi32>, vector<16xi32>], vector<16xf32>,
        %add3A_335 = arith.addf %scan3A_316, %gather3A_334 : vector<16xf32>
        %gather3A_336 = tpu.vector_load_idx %arg5[%broadcast_in_dim3A_330, %add3A_44] : memref<32x256xf32, #tpu.memory_space<vmem>>[vector<16xi32>, vector<16xi32>], vector<16xf32>,
        tpu.vector_store_idx %arg9[%broadcast_in_dim3A_330, %add3A_44], %scan3A_317 : memref<32x256xf32, #tpu.memory_space<vmem>>[vector<16xi32>, vector<16xi32>], vector<16xf32>,
        %add3A_337 = arith.addf %scan3A_317, %gather3A_336 : vector<16xf32>
        %gather3A_338 = tpu.vector_load_idx %arg5[%broadcast_in_dim3A_330, %add3A_47] : memref<32x256xf32, #tpu.memory_space<vmem>>[vector<16xi32>, vector<16xi32>], vector<16xf32>,
        tpu.vector_store_idx %arg9[%broadcast_in_dim3A_330, %add3A_47], %scan3A_318 : memref<32x256xf32, #tpu.memory_space<vmem>>[vector<16xi32>, vector<16xi32>], vector<16xf32>,
        %add3A_339 = arith.addf %scan3A_318, %gather3A_338 : vector<16xf32>
        %gather3A_340 = tpu.vector_load_idx %arg5[%broadcast_in_dim3A_330, %add3A_50] : memref<32x256xf32, #tpu.memory_space<vmem>>[vector<16xi32>, vector<16xi32>], vector<16xf32>,
        tpu.vector_store_idx %arg9[%broadcast_in_dim3A_330, %add3A_50], %scan3A_319 : memref<32x256xf32, #tpu.memory_space<vmem>>[vector<16xi32>, vector<16xi32>], vector<16xf32>,
        %add3A_341 = arith.addf %scan3A_319, %gather3A_340 : vector<16xf32>
        %gather3A_342 = tpu.vector_load_idx %arg5[%broadcast_in_dim3A_330, %add3A_53] : memref<32x256xf32, #tpu.memory_space<vmem>>[vector<16xi32>, vector<16xi32>], vector<16xf32>,
        tpu.vector_store_idx %arg9[%broadcast_in_dim3A_330, %add3A_53], %scan3A_320 : memref<32x256xf32, #tpu.memory_space<vmem>>[vector<16xi32>, vector<16xi32>], vector<16xf32>,
        %add3A_343 = arith.addf %scan3A_320, %gather3A_342 : vector<16xf32>
        %gather3A_344 = tpu.vector_load_idx %arg5[%broadcast_in_dim3A_330, %add3A_56] : memref<32x256xf32, #tpu.memory_space<vmem>>[vector<16xi32>, vector<16xi32>], vector<16xf32>,
        tpu.vector_store_idx %arg9[%broadcast_in_dim3A_330, %add3A_56], %scan3A_321 : memref<32x256xf32, #tpu.memory_space<vmem>>[vector<16xi32>, vector<16xi32>], vector<16xf32>,
        %add3A_345 = arith.addf %scan3A_321, %gather3A_344 : vector<16xf32>
        %gather3A_346 = tpu.vector_load_idx %arg5[%broadcast_in_dim3A_330, %add3A_59] : memref<32x256xf32, #tpu.memory_space<vmem>>[vector<16xi32>, vector<16xi32>], vector<16xf32>,
        tpu.vector_store_idx %arg9[%broadcast_in_dim3A_330, %add3A_59], %scan3A_322 : memref<32x256xf32, #tpu.memory_space<vmem>>[vector<16xi32>, vector<16xi32>], vector<16xf32>,
        %add3A_347 = arith.addf %scan3A_322, %gather3A_346 : vector<16xf32>
        %gather3A_348 = tpu.vector_load_idx %arg5[%broadcast_in_dim3A_330, %add3A_62] : memref<32x256xf32, #tpu.memory_space<vmem>>[vector<16xi32>, vector<16xi32>], vector<16xf32>,
        tpu.vector_store_idx %arg9[%broadcast_in_dim3A_330, %add3A_62], %scan3A_323 : memref<32x256xf32, #tpu.memory_space<vmem>>[vector<16xi32>, vector<16xi32>], vector<16xf32>,
        %add3A_349 = arith.addf %scan3A_323, %gather3A_348 : vector<16xf32>
        %gather3A_350 = tpu.vector_load_idx %arg5[%broadcast_in_dim3A_330, %add3A_65] : memref<32x256xf32, #tpu.memory_space<vmem>>[vector<16xi32>, vector<16xi32>], vector<16xf32>,
        tpu.vector_store_idx %arg9[%broadcast_in_dim3A_330, %add3A_65], %scan3A_324 : memref<32x256xf32, #tpu.memory_space<vmem>>[vector<16xi32>, vector<16xi32>], vector<16xf32>,
        %add3A_351 = arith.addf %scan3A_324, %gather3A_350 : vector<16xf32>
        %gather3A_352 = tpu.vector_load_idx %arg5[%broadcast_in_dim3A_330, %add3A_68] : memref<32x256xf32, #tpu.memory_space<vmem>>[vector<16xi32>, vector<16xi32>], vector<16xf32>,
        tpu.vector_store_idx %arg9[%broadcast_in_dim3A_330, %add3A_68], %scan3A_325 : memref<32x256xf32, #tpu.memory_space<vmem>>[vector<16xi32>, vector<16xi32>], vector<16xf32>,
        %add3A_353 = arith.addf %scan3A_325, %gather3A_352 : vector<16xf32>
        %gather3A_354 = tpu.vector_load_idx %arg5[%broadcast_in_dim3A_330, %add3A_71] : memref<32x256xf32, #tpu.memory_space<vmem>>[vector<16xi32>, vector<16xi32>], vector<16xf32>,
        tpu.vector_store_idx %arg9[%broadcast_in_dim3A_330, %add3A_71], %scan3A_326 : memref<32x256xf32, #tpu.memory_space<vmem>>[vector<16xi32>, vector<16xi32>], vector<16xf32>,
        %add3A_355 = arith.addf %scan3A_326, %gather3A_354 : vector<16xf32>
        %gather3A_356 = tpu.vector_load_idx %arg5[%broadcast_in_dim3A_330, %add3A_74] : memref<32x256xf32, #tpu.memory_space<vmem>>[vector<16xi32>, vector<16xi32>], vector<16xf32>,
        tpu.vector_store_idx %arg9[%broadcast_in_dim3A_330, %add3A_74], %scan3A_327 : memref<32x256xf32, #tpu.memory_space<vmem>>[vector<16xi32>, vector<16xi32>], vector<16xf32>,
        %add3A_357 = arith.addf %scan3A_327, %gather3A_356 : vector<16xf32>
        %gather3A_358 = tpu.vector_load_idx %arg5[%broadcast_in_dim3A_330, %add3A_77] : memref<32x256xf32, #tpu.memory_space<vmem>>[vector<16xi32>, vector<16xi32>], vector<16xf32>,
        tpu.vector_store_idx %arg9[%broadcast_in_dim3A_330, %add3A_77], %scan3A_328 : memref<32x256xf32, #tpu.memory_space<vmem>>[vector<16xi32>, vector<16xi32>], vector<16xf32>,
        %add3A_359 = arith.addf %scan3A_328, %gather3A_358 : vector<16xf32>
        %gather3A_360 = tpu.vector_load_idx %arg5[%broadcast_in_dim3A_330, %add3A_80] : memref<32x256xf32, #tpu.memory_space<vmem>>[vector<16xi32>, vector<16xi32>], vector<16xf32>,
        tpu.vector_store_idx %arg9[%broadcast_in_dim3A_330, %add3A_80], %scan3A_329 : memref<32x256xf32, #tpu.memory_space<vmem>>[vector<16xi32>, vector<16xi32>], vector<16xf32>,
        %add3A_361 = arith.addf %scan3A_329, %gather3A_360 : vector<16xf32>
        scf.yield %add3A_331, %add3A_333, %add3A_335, %add3A_337, %add3A_339, %add3A_341, %add3A_343, %add3A_345, %add3A_347, %add3A_349, %add3A_351, %add3A_353, %add3A_355, %add3A_357, %add3A_359, %add3A_361 : vector<16xf32>, vector<16xf32>, vector<16xf32>, vector<16xf32>, vector<16xf32>, vector<16xf32>, vector<16xf32>, vector<16xf32>, vector<16xf32>, vector<16xf32>, vector<16xf32>, vector<16xf32>, vector<16xf32>, vector<16xf32>, vector<16xf32>, vector<16xf32>
      }
      %scan3A_231 = arith.constant 32 : i32
      %mul3A_232 = arith.constant 32 : i32
      %mul3A_233 = arith.muli %add3A_214, %mul3A_232 : i32
      %dma_start3A_234 = tpu.memref_slice %arg3[%select_n3A, %mul3A_233, %mul3A_32] : memref<4x4096x2048xf32, #tpu.memory_space<hbm>> -> memref<1x32x256xf32, #tpu.memory_space<hbm>>
      %dma_start3A_235 = tpu.memref_squeeze %dma_start3A_234 : memref<1x32x256xf32, #tpu.memory_space<hbm>> -> memref<32x256xf32, #tpu.memory_space<hbm>>
      %dma_start3A_236 = tpu.memref_slice %arg3[%select_n3A, %mul3A_233, %mul3A_32] : memref<4x4096x2048xf32, #tpu.memory_space<hbm>> -> memref<1x32x256xf32, #tpu.memory_space<hbm>>
      %dma_start3A_237 = tpu.memref_squeeze %dma_start3A_236 : memref<1x32x256xf32, #tpu.memory_space<hbm>> -> memref<32x256xf32, #tpu.memory_space<hbm>>
      tpu.enqueue_dma source(%arg9 : memref<32x256xf32, #tpu.memory_space<vmem>>) target(%dma_start3A_237 : memref<32x256xf32, #tpu.memory_space<hbm>>) target_semaphore(%arg17 : memref<!tpu.dma_semaphore, #tpu.memory_space<semaphore_mem>>)
      %add3A_238 = arith.constant 4 : i32
      %add3A_239 = arith.addi %add3A_214, %add3A_238 : i32
      %lt3A_240 = arith.constant 128 : i32
      %lt3A_241 = arith.cmpi slt, %add3A_239, %lt3A_240 : i32
      %convert_element_type3A_242 = arith.extui %lt3A_241 : i1 to i32
      %cond3A_243 = arith.constant 0 : i32
      %cond3A_244 = arith.cmpi ne, %convert_element_type3A_242, %cond3A_243 : i32
      scf.if %cond3A_244 {
        %add3A_313 = arith.constant 4 : i32
        %add3A_314 = arith.addi %add3A_214, %add3A_313 : i32
        %mul3A_315 = arith.constant 32 : i32
        %mul3A_316 = arith.muli %add3A_314, %mul3A_315 : i32
        %dma_start3A_317 = tpu.memref_slice %arg2[%select_n3A, %mul3A_316, %mul3A_32] : memref<4x4096x2048xf32, #tpu.memory_space<hbm>> -> memref<1x32x256xf32, #tpu.memory_space<hbm>>
        %dma_start3A_318 = tpu.memref_squeeze %dma_start3A_317 : memref<1x32x256xf32, #tpu.memory_space<hbm>> -> memref<32x256xf32, #tpu.memory_space<hbm>>
        %dma_start3A_319 = tpu.memref_slice %arg2[%select_n3A, %mul3A_316, %mul3A_32] : memref<4x4096x2048xf32, #tpu.memory_space<hbm>> -> memref<1x32x256xf32, #tpu.memory_space<hbm>>
        %dma_start3A_320 = tpu.memref_squeeze %dma_start3A_319 : memref<1x32x256xf32, #tpu.memory_space<hbm>> -> memref<32x256xf32, #tpu.memory_space<hbm>>
        tpu.enqueue_dma source(%dma_start3A_320 : memref<32x256xf32, #tpu.memory_space<hbm>>) target(%arg5 : memref<32x256xf32, #tpu.memory_space<vmem>>) target_semaphore(%arg13 : memref<!tpu.dma_semaphore, #tpu.memory_space<semaphore_mem>>)
      } else {
      }
      %mul3A_245 = arith.constant 4 : i32
      %mul3A_246 = arith.muli %mul3A_245, %scan3A_163 : i32
      %add3A_247 = arith.constant 2 : i32
      %add3A_248 = arith.addi %mul3A_246, %add3A_247 : i32
      %mul3A_249 = arith.constant 32 : i32
      %mul3A_250 = arith.muli %add3A_248, %mul3A_249 : i32
      %dma_wait3A_251 = tpu.memref_slice %arg2[%select_n3A, %mul3A_250, %mul3A_32] : memref<4x4096x2048xf32, #tpu.memory_space<hbm>> -> memref<1x32x256xf32, #tpu.memory_space<hbm>>
      %dma_wait3A_252 = tpu.memref_squeeze %dma_wait3A_251 : memref<1x32x256xf32, #tpu.memory_space<hbm>> -> memref<32x256xf32, #tpu.memory_space<hbm>>
      %dma_wait3A_253 = tpu.memref_slice %arg2[%select_n3A, %mul3A_250, %mul3A_32] : memref<4x4096x2048xf32, #tpu.memory_space<hbm>> -> memref<1x32x256xf32, #tpu.memory_space<hbm>>
      %dma_wait3A_254 = tpu.memref_squeeze %dma_wait3A_253 : memref<1x32x256xf32, #tpu.memory_space<hbm>> -> memref<32x256xf32, #tpu.memory_space<hbm>>
      tpu.wait_dma2 semaphore(%arg14 : memref<!tpu.dma_semaphore, #tpu.memory_space<semaphore_mem>>) src(%dma_wait3A_254 : memref<32x256xf32, #tpu.memory_space<hbm>>) dst(%arg6 : memref<32x256xf32, #tpu.memory_space<vmem>>)
      %ge3A_255 = arith.constant 4 : i32
      %ge3A_256 = arith.cmpi sge, %add3A_248, %ge3A_255 : i32
      %convert_element_type3A_257 = arith.extui %ge3A_256 : i1 to i32
      %cond3A_258 = arith.constant 0 : i32
      %cond3A_259 = arith.cmpi ne, %convert_element_type3A_257, %cond3A_258 : i32
      scf.if %cond3A_259 {
        %sub3A_313 = arith.constant 4 : i32
        %sub3A_314 = arith.subi %add3A_248, %sub3A_313 : i32
        %mul3A_315 = arith.constant 32 : i32
        %mul3A_316 = arith.muli %sub3A_314, %mul3A_315 : i32
        %dma_wait3A_317 = tpu.memref_slice %arg3[%select_n3A, %mul3A_316, %mul3A_32] : memref<4x4096x2048xf32, #tpu.memory_space<hbm>> -> memref<1x32x256xf32, #tpu.memory_space<hbm>>
        %dma_wait3A_318 = tpu.memref_squeeze %dma_wait3A_317 : memref<1x32x256xf32, #tpu.memory_space<hbm>> -> memref<32x256xf32, #tpu.memory_space<hbm>>
        %dma_wait3A_319 = tpu.memref_slice %arg3[%select_n3A, %mul3A_316, %mul3A_32] : memref<4x4096x2048xf32, #tpu.memory_space<hbm>> -> memref<1x32x256xf32, #tpu.memory_space<hbm>>
        %dma_wait3A_320 = tpu.memref_squeeze %dma_wait3A_319 : memref<1x32x256xf32, #tpu.memory_space<hbm>> -> memref<32x256xf32, #tpu.memory_space<hbm>>
        tpu.wait_dma2 semaphore(%arg18 : memref<!tpu.dma_semaphore, #tpu.memory_space<semaphore_mem>>) src(%arg10 : memref<32x256xf32, #tpu.memory_space<vmem>>) dst(%dma_wait3A_320 : memref<32x256xf32, #tpu.memory_space<hbm>>)
      } else {
      }
      %scan3A_260 = arith.constant 0 : i32
      %scan3A_261 = arith.constant 32 : i32
      %scan3A_262 = arith.addi %scan3A_260, %scan3A_261 : i32
      %scan3A_263 = arith.constant 1 : i32
      %scan3A_264:16 = scf.for %scan3A_313 = %scan3A_260 to %scan3A_262 step %scan3A_263 iter_args(%scan3A_314 = %scan3A_230#0, %scan3A_315 = %scan3A_230#1, %scan3A_316 = %scan3A_230#2, %scan3A_317 = %scan3A_230#3, %scan3A_318 = %scan3A_230#4, %scan3A_319 = %scan3A_230#5, %scan3A_320 = %scan3A_230#6, %scan3A_321 = %scan3A_230#7, %scan3A_322 = %scan3A_230#8, %scan3A_323 = %scan3A_230#9, %scan3A_324 = %scan3A_230#10, %scan3A_325 = %scan3A_230#11, %scan3A_326 = %scan3A_230#12, %scan3A_327 = %scan3A_230#13, %scan3A_328 = %scan3A_230#14, %scan3A_329 = %scan3A_230#15) -> (vector<16xf32>, vector<16xf32>, vector<16xf32>, vector<16xf32>, vector<16xf32>, vector<16xf32>, vector<16xf32>, vector<16xf32>, vector<16xf32>, vector<16xf32>, vector<16xf32>, vector<16xf32>, vector<16xf32>, vector<16xf32>, vector<16xf32>, vector<16xf32>)  : i32 {
        %broadcast_in_dim3A_330 = vector.broadcast %scan3A_313 : i32 to vector<16xi32>
        %gather3A = tpu.vector_load_idx %arg6[%broadcast_in_dim3A_330, %add3A_35] : memref<32x256xf32, #tpu.memory_space<vmem>>[vector<16xi32>, vector<16xi32>], vector<16xf32>,
        tpu.vector_store_idx %arg10[%broadcast_in_dim3A_330, %add3A_35], %scan3A_314 : memref<32x256xf32, #tpu.memory_space<vmem>>[vector<16xi32>, vector<16xi32>], vector<16xf32>,
        %add3A_331 = arith.addf %scan3A_314, %gather3A : vector<16xf32>
        %gather3A_332 = tpu.vector_load_idx %arg6[%broadcast_in_dim3A_330, %add3A_38] : memref<32x256xf32, #tpu.memory_space<vmem>>[vector<16xi32>, vector<16xi32>], vector<16xf32>,
        tpu.vector_store_idx %arg10[%broadcast_in_dim3A_330, %add3A_38], %scan3A_315 : memref<32x256xf32, #tpu.memory_space<vmem>>[vector<16xi32>, vector<16xi32>], vector<16xf32>,
        %add3A_333 = arith.addf %scan3A_315, %gather3A_332 : vector<16xf32>
        %gather3A_334 = tpu.vector_load_idx %arg6[%broadcast_in_dim3A_330, %add3A_41] : memref<32x256xf32, #tpu.memory_space<vmem>>[vector<16xi32>, vector<16xi32>], vector<16xf32>,
        tpu.vector_store_idx %arg10[%broadcast_in_dim3A_330, %add3A_41], %scan3A_316 : memref<32x256xf32, #tpu.memory_space<vmem>>[vector<16xi32>, vector<16xi32>], vector<16xf32>,
        %add3A_335 = arith.addf %scan3A_316, %gather3A_334 : vector<16xf32>
        %gather3A_336 = tpu.vector_load_idx %arg6[%broadcast_in_dim3A_330, %add3A_44] : memref<32x256xf32, #tpu.memory_space<vmem>>[vector<16xi32>, vector<16xi32>], vector<16xf32>,
        tpu.vector_store_idx %arg10[%broadcast_in_dim3A_330, %add3A_44], %scan3A_317 : memref<32x256xf32, #tpu.memory_space<vmem>>[vector<16xi32>, vector<16xi32>], vector<16xf32>,
        %add3A_337 = arith.addf %scan3A_317, %gather3A_336 : vector<16xf32>
        %gather3A_338 = tpu.vector_load_idx %arg6[%broadcast_in_dim3A_330, %add3A_47] : memref<32x256xf32, #tpu.memory_space<vmem>>[vector<16xi32>, vector<16xi32>], vector<16xf32>,
        tpu.vector_store_idx %arg10[%broadcast_in_dim3A_330, %add3A_47], %scan3A_318 : memref<32x256xf32, #tpu.memory_space<vmem>>[vector<16xi32>, vector<16xi32>], vector<16xf32>,
        %add3A_339 = arith.addf %scan3A_318, %gather3A_338 : vector<16xf32>
        %gather3A_340 = tpu.vector_load_idx %arg6[%broadcast_in_dim3A_330, %add3A_50] : memref<32x256xf32, #tpu.memory_space<vmem>>[vector<16xi32>, vector<16xi32>], vector<16xf32>,
        tpu.vector_store_idx %arg10[%broadcast_in_dim3A_330, %add3A_50], %scan3A_319 : memref<32x256xf32, #tpu.memory_space<vmem>>[vector<16xi32>, vector<16xi32>], vector<16xf32>,
        %add3A_341 = arith.addf %scan3A_319, %gather3A_340 : vector<16xf32>
        %gather3A_342 = tpu.vector_load_idx %arg6[%broadcast_in_dim3A_330, %add3A_53] : memref<32x256xf32, #tpu.memory_space<vmem>>[vector<16xi32>, vector<16xi32>], vector<16xf32>,
        tpu.vector_store_idx %arg10[%broadcast_in_dim3A_330, %add3A_53], %scan3A_320 : memref<32x256xf32, #tpu.memory_space<vmem>>[vector<16xi32>, vector<16xi32>], vector<16xf32>,
        %add3A_343 = arith.addf %scan3A_320, %gather3A_342 : vector<16xf32>
        %gather3A_344 = tpu.vector_load_idx %arg6[%broadcast_in_dim3A_330, %add3A_56] : memref<32x256xf32, #tpu.memory_space<vmem>>[vector<16xi32>, vector<16xi32>], vector<16xf32>,
        tpu.vector_store_idx %arg10[%broadcast_in_dim3A_330, %add3A_56], %scan3A_321 : memref<32x256xf32, #tpu.memory_space<vmem>>[vector<16xi32>, vector<16xi32>], vector<16xf32>,
        %add3A_345 = arith.addf %scan3A_321, %gather3A_344 : vector<16xf32>
        %gather3A_346 = tpu.vector_load_idx %arg6[%broadcast_in_dim3A_330, %add3A_59] : memref<32x256xf32, #tpu.memory_space<vmem>>[vector<16xi32>, vector<16xi32>], vector<16xf32>,
        tpu.vector_store_idx %arg10[%broadcast_in_dim3A_330, %add3A_59], %scan3A_322 : memref<32x256xf32, #tpu.memory_space<vmem>>[vector<16xi32>, vector<16xi32>], vector<16xf32>,
        %add3A_347 = arith.addf %scan3A_322, %gather3A_346 : vector<16xf32>
        %gather3A_348 = tpu.vector_load_idx %arg6[%broadcast_in_dim3A_330, %add3A_62] : memref<32x256xf32, #tpu.memory_space<vmem>>[vector<16xi32>, vector<16xi32>], vector<16xf32>,
        tpu.vector_store_idx %arg10[%broadcast_in_dim3A_330, %add3A_62], %scan3A_323 : memref<32x256xf32, #tpu.memory_space<vmem>>[vector<16xi32>, vector<16xi32>], vector<16xf32>,
        %add3A_349 = arith.addf %scan3A_323, %gather3A_348 : vector<16xf32>
        %gather3A_350 = tpu.vector_load_idx %arg6[%broadcast_in_dim3A_330, %add3A_65] : memref<32x256xf32, #tpu.memory_space<vmem>>[vector<16xi32>, vector<16xi32>], vector<16xf32>,
        tpu.vector_store_idx %arg10[%broadcast_in_dim3A_330, %add3A_65], %scan3A_324 : memref<32x256xf32, #tpu.memory_space<vmem>>[vector<16xi32>, vector<16xi32>], vector<16xf32>,
        %add3A_351 = arith.addf %scan3A_324, %gather3A_350 : vector<16xf32>
        %gather3A_352 = tpu.vector_load_idx %arg6[%broadcast_in_dim3A_330, %add3A_68] : memref<32x256xf32, #tpu.memory_space<vmem>>[vector<16xi32>, vector<16xi32>], vector<16xf32>,
        tpu.vector_store_idx %arg10[%broadcast_in_dim3A_330, %add3A_68], %scan3A_325 : memref<32x256xf32, #tpu.memory_space<vmem>>[vector<16xi32>, vector<16xi32>], vector<16xf32>,
        %add3A_353 = arith.addf %scan3A_325, %gather3A_352 : vector<16xf32>
        %gather3A_354 = tpu.vector_load_idx %arg6[%broadcast_in_dim3A_330, %add3A_71] : memref<32x256xf32, #tpu.memory_space<vmem>>[vector<16xi32>, vector<16xi32>], vector<16xf32>,
        tpu.vector_store_idx %arg10[%broadcast_in_dim3A_330, %add3A_71], %scan3A_326 : memref<32x256xf32, #tpu.memory_space<vmem>>[vector<16xi32>, vector<16xi32>], vector<16xf32>,
        %add3A_355 = arith.addf %scan3A_326, %gather3A_354 : vector<16xf32>
        %gather3A_356 = tpu.vector_load_idx %arg6[%broadcast_in_dim3A_330, %add3A_74] : memref<32x256xf32, #tpu.memory_space<vmem>>[vector<16xi32>, vector<16xi32>], vector<16xf32>,
        tpu.vector_store_idx %arg10[%broadcast_in_dim3A_330, %add3A_74], %scan3A_327 : memref<32x256xf32, #tpu.memory_space<vmem>>[vector<16xi32>, vector<16xi32>], vector<16xf32>,
        %add3A_357 = arith.addf %scan3A_327, %gather3A_356 : vector<16xf32>
        %gather3A_358 = tpu.vector_load_idx %arg6[%broadcast_in_dim3A_330, %add3A_77] : memref<32x256xf32, #tpu.memory_space<vmem>>[vector<16xi32>, vector<16xi32>], vector<16xf32>,
        tpu.vector_store_idx %arg10[%broadcast_in_dim3A_330, %add3A_77], %scan3A_328 : memref<32x256xf32, #tpu.memory_space<vmem>>[vector<16xi32>, vector<16xi32>], vector<16xf32>,
        %add3A_359 = arith.addf %scan3A_328, %gather3A_358 : vector<16xf32>
        %gather3A_360 = tpu.vector_load_idx %arg6[%broadcast_in_dim3A_330, %add3A_80] : memref<32x256xf32, #tpu.memory_space<vmem>>[vector<16xi32>, vector<16xi32>], vector<16xf32>,
        tpu.vector_store_idx %arg10[%broadcast_in_dim3A_330, %add3A_80], %scan3A_329 : memref<32x256xf32, #tpu.memory_space<vmem>>[vector<16xi32>, vector<16xi32>], vector<16xf32>,
        %add3A_361 = arith.addf %scan3A_329, %gather3A_360 : vector<16xf32>
        scf.yield %add3A_331, %add3A_333, %add3A_335, %add3A_337, %add3A_339, %add3A_341, %add3A_343, %add3A_345, %add3A_347, %add3A_349, %add3A_351, %add3A_353, %add3A_355, %add3A_357, %add3A_359, %add3A_361 : vector<16xf32>, vector<16xf32>, vector<16xf32>, vector<16xf32>, vector<16xf32>, vector<16xf32>, vector<16xf32>, vector<16xf32>, vector<16xf32>, vector<16xf32>, vector<16xf32>, vector<16xf32>, vector<16xf32>, vector<16xf32>, vector<16xf32>, vector<16xf32>
      }
      %scan3A_265 = arith.constant 32 : i32
      %mul3A_266 = arith.constant 32 : i32
      %mul3A_267 = arith.muli %add3A_248, %mul3A_266 : i32
      %dma_start3A_268 = tpu.memref_slice %arg3[%select_n3A, %mul3A_267, %mul3A_32] : memref<4x4096x2048xf32, #tpu.memory_space<hbm>> -> memref<1x32x256xf32, #tpu.memory_space<hbm>>
      %dma_start3A_269 = tpu.memref_squeeze %dma_start3A_268 : memref<1x32x256xf32, #tpu.memory_space<hbm>> -> memref<32x256xf32, #tpu.memory_space<hbm>>
      %dma_start3A_270 = tpu.memref_slice %arg3[%select_n3A, %mul3A_267, %mul3A_32] : memref<4x4096x2048xf32, #tpu.memory_space<hbm>> -> memref<1x32x256xf32, #tpu.memory_space<hbm>>
      %dma_start3A_271 = tpu.memref_squeeze %dma_start3A_270 : memref<1x32x256xf32, #tpu.memory_space<hbm>> -> memref<32x256xf32, #tpu.memory_space<hbm>>
      tpu.enqueue_dma source(%arg10 : memref<32x256xf32, #tpu.memory_space<vmem>>) target(%dma_start3A_271 : memref<32x256xf32, #tpu.memory_space<hbm>>) target_semaphore(%arg18 : memref<!tpu.dma_semaphore, #tpu.memory_space<semaphore_mem>>)
      %add3A_272 = arith.constant 4 : i32
      %add3A_273 = arith.addi %add3A_248, %add3A_272 : i32
      %lt3A_274 = arith.constant 128 : i32
      %lt3A_275 = arith.cmpi slt, %add3A_273, %lt3A_274 : i32
      %convert_element_type3A_276 = arith.extui %lt3A_275 : i1 to i32
      %cond3A_277 = arith.constant 0 : i32
      %cond3A_278 = arith.cmpi ne, %convert_element_type3A_276, %cond3A_277 : i32
      scf.if %cond3A_278 {
        %add3A_313 = arith.constant 4 : i32
        %add3A_314 = arith.addi %add3A_248, %add3A_313 : i32
        %mul3A_315 = arith.constant 32 : i32
        %mul3A_316 = arith.muli %add3A_314, %mul3A_315 : i32
        %dma_start3A_317 = tpu.memref_slice %arg2[%select_n3A, %mul3A_316, %mul3A_32] : memref<4x4096x2048xf32, #tpu.memory_space<hbm>> -> memref<1x32x256xf32, #tpu.memory_space<hbm>>
        %dma_start3A_318 = tpu.memref_squeeze %dma_start3A_317 : memref<1x32x256xf32, #tpu.memory_space<hbm>> -> memref<32x256xf32, #tpu.memory_space<hbm>>
        %dma_start3A_319 = tpu.memref_slice %arg2[%select_n3A, %mul3A_316, %mul3A_32] : memref<4x4096x2048xf32, #tpu.memory_space<hbm>> -> memref<1x32x256xf32, #tpu.memory_space<hbm>>
        %dma_start3A_320 = tpu.memref_squeeze %dma_start3A_319 : memref<1x32x256xf32, #tpu.memory_space<hbm>> -> memref<32x256xf32, #tpu.memory_space<hbm>>
        tpu.enqueue_dma source(%dma_start3A_320 : memref<32x256xf32, #tpu.memory_space<hbm>>) target(%arg6 : memref<32x256xf32, #tpu.memory_space<vmem>>) target_semaphore(%arg14 : memref<!tpu.dma_semaphore, #tpu.memory_space<semaphore_mem>>)
      } else {
      }
      %mul3A_279 = arith.constant 4 : i32
      %mul3A_280 = arith.muli %mul3A_279, %scan3A_163 : i32
      %add3A_281 = arith.constant 3 : i32
      %add3A_282 = arith.addi %mul3A_280, %add3A_281 : i32
      %mul3A_283 = arith.constant 32 : i32
      %mul3A_284 = arith.muli %add3A_282, %mul3A_283 : i32
      %dma_wait3A_285 = tpu.memref_slice %arg2[%select_n3A, %mul3A_284, %mul3A_32] : memref<4x4096x2048xf32, #tpu.memory_space<hbm>> -> memref<1x32x256xf32, #tpu.memory_space<hbm>>
      %dma_wait3A_286 = tpu.memref_squeeze %dma_wait3A_285 : memref<1x32x256xf32, #tpu.memory_space<hbm>> -> memref<32x256xf32, #tpu.memory_space<hbm>>
      %dma_wait3A_287 = tpu.memref_slice %arg2[%select_n3A, %mul3A_284, %mul3A_32] : memref<4x4096x2048xf32, #tpu.memory_space<hbm>> -> memref<1x32x256xf32, #tpu.memory_space<hbm>>
      %dma_wait3A_288 = tpu.memref_squeeze %dma_wait3A_287 : memref<1x32x256xf32, #tpu.memory_space<hbm>> -> memref<32x256xf32, #tpu.memory_space<hbm>>
      tpu.wait_dma2 semaphore(%arg15 : memref<!tpu.dma_semaphore, #tpu.memory_space<semaphore_mem>>) src(%dma_wait3A_288 : memref<32x256xf32, #tpu.memory_space<hbm>>) dst(%arg7 : memref<32x256xf32, #tpu.memory_space<vmem>>)
      %ge3A_289 = arith.constant 4 : i32
      %ge3A_290 = arith.cmpi sge, %add3A_282, %ge3A_289 : i32
      %convert_element_type3A_291 = arith.extui %ge3A_290 : i1 to i32
      %cond3A_292 = arith.constant 0 : i32
      %cond3A_293 = arith.cmpi ne, %convert_element_type3A_291, %cond3A_292 : i32
      scf.if %cond3A_293 {
        %sub3A_313 = arith.constant 4 : i32
        %sub3A_314 = arith.subi %add3A_282, %sub3A_313 : i32
        %mul3A_315 = arith.constant 32 : i32
        %mul3A_316 = arith.muli %sub3A_314, %mul3A_315 : i32
        %dma_wait3A_317 = tpu.memref_slice %arg3[%select_n3A, %mul3A_316, %mul3A_32] : memref<4x4096x2048xf32, #tpu.memory_space<hbm>> -> memref<1x32x256xf32, #tpu.memory_space<hbm>>
        %dma_wait3A_318 = tpu.memref_squeeze %dma_wait3A_317 : memref<1x32x256xf32, #tpu.memory_space<hbm>> -> memref<32x256xf32, #tpu.memory_space<hbm>>
        %dma_wait3A_319 = tpu.memref_slice %arg3[%select_n3A, %mul3A_316, %mul3A_32] : memref<4x4096x2048xf32, #tpu.memory_space<hbm>> -> memref<1x32x256xf32, #tpu.memory_space<hbm>>
        %dma_wait3A_320 = tpu.memref_squeeze %dma_wait3A_319 : memref<1x32x256xf32, #tpu.memory_space<hbm>> -> memref<32x256xf32, #tpu.memory_space<hbm>>
        tpu.wait_dma2 semaphore(%arg19 : memref<!tpu.dma_semaphore, #tpu.memory_space<semaphore_mem>>) src(%arg11 : memref<32x256xf32, #tpu.memory_space<vmem>>) dst(%dma_wait3A_320 : memref<32x256xf32, #tpu.memory_space<hbm>>)
      } else {
      }
      %scan3A_294 = arith.constant 0 : i32
      %scan3A_295 = arith.constant 32 : i32
      %scan3A_296 = arith.addi %scan3A_294, %scan3A_295 : i32
      %scan3A_297 = arith.constant 1 : i32
      %scan3A_298:16 = scf.for %scan3A_313 = %scan3A_294 to %scan3A_296 step %scan3A_297 iter_args(%scan3A_314 = %scan3A_264#0, %scan3A_315 = %scan3A_264#1, %scan3A_316 = %scan3A_264#2, %scan3A_317 = %scan3A_264#3, %scan3A_318 = %scan3A_264#4, %scan3A_319 = %scan3A_264#5, %scan3A_320 = %scan3A_264#6, %scan3A_321 = %scan3A_264#7, %scan3A_322 = %scan3A_264#8, %scan3A_323 = %scan3A_264#9, %scan3A_324 = %scan3A_264#10, %scan3A_325 = %scan3A_264#11, %scan3A_326 = %scan3A_264#12, %scan3A_327 = %scan3A_264#13, %scan3A_328 = %scan3A_264#14, %scan3A_329 = %scan3A_264#15) -> (vector<16xf32>, vector<16xf32>, vector<16xf32>, vector<16xf32>, vector<16xf32>, vector<16xf32>, vector<16xf32>, vector<16xf32>, vector<16xf32>, vector<16xf32>, vector<16xf32>, vector<16xf32>, vector<16xf32>, vector<16xf32>, vector<16xf32>, vector<16xf32>)  : i32 {
        %broadcast_in_dim3A_330 = vector.broadcast %scan3A_313 : i32 to vector<16xi32>
        %gather3A = tpu.vector_load_idx %arg7[%broadcast_in_dim3A_330, %add3A_35] : memref<32x256xf32, #tpu.memory_space<vmem>>[vector<16xi32>, vector<16xi32>], vector<16xf32>,
        tpu.vector_store_idx %arg11[%broadcast_in_dim3A_330, %add3A_35], %scan3A_314 : memref<32x256xf32, #tpu.memory_space<vmem>>[vector<16xi32>, vector<16xi32>], vector<16xf32>,
        %add3A_331 = arith.addf %scan3A_314, %gather3A : vector<16xf32>
        %gather3A_332 = tpu.vector_load_idx %arg7[%broadcast_in_dim3A_330, %add3A_38] : memref<32x256xf32, #tpu.memory_space<vmem>>[vector<16xi32>, vector<16xi32>], vector<16xf32>,
        tpu.vector_store_idx %arg11[%broadcast_in_dim3A_330, %add3A_38], %scan3A_315 : memref<32x256xf32, #tpu.memory_space<vmem>>[vector<16xi32>, vector<16xi32>], vector<16xf32>,
        %add3A_333 = arith.addf %scan3A_315, %gather3A_332 : vector<16xf32>
        %gather3A_334 = tpu.vector_load_idx %arg7[%broadcast_in_dim3A_330, %add3A_41] : memref<32x256xf32, #tpu.memory_space<vmem>>[vector<16xi32>, vector<16xi32>], vector<16xf32>,
        tpu.vector_store_idx %arg11[%broadcast_in_dim3A_330, %add3A_41], %scan3A_316 : memref<32x256xf32, #tpu.memory_space<vmem>>[vector<16xi32>, vector<16xi32>], vector<16xf32>,
        %add3A_335 = arith.addf %scan3A_316, %gather3A_334 : vector<16xf32>
        %gather3A_336 = tpu.vector_load_idx %arg7[%broadcast_in_dim3A_330, %add3A_44] : memref<32x256xf32, #tpu.memory_space<vmem>>[vector<16xi32>, vector<16xi32>], vector<16xf32>,
        tpu.vector_store_idx %arg11[%broadcast_in_dim3A_330, %add3A_44], %scan3A_317 : memref<32x256xf32, #tpu.memory_space<vmem>>[vector<16xi32>, vector<16xi32>], vector<16xf32>,
        %add3A_337 = arith.addf %scan3A_317, %gather3A_336 : vector<16xf32>
        %gather3A_338 = tpu.vector_load_idx %arg7[%broadcast_in_dim3A_330, %add3A_47] : memref<32x256xf32, #tpu.memory_space<vmem>>[vector<16xi32>, vector<16xi32>], vector<16xf32>,
        tpu.vector_store_idx %arg11[%broadcast_in_dim3A_330, %add3A_47], %scan3A_318 : memref<32x256xf32, #tpu.memory_space<vmem>>[vector<16xi32>, vector<16xi32>], vector<16xf32>,
        %add3A_339 = arith.addf %scan3A_318, %gather3A_338 : vector<16xf32>
        %gather3A_340 = tpu.vector_load_idx %arg7[%broadcast_in_dim3A_330, %add3A_50] : memref<32x256xf32, #tpu.memory_space<vmem>>[vector<16xi32>, vector<16xi32>], vector<16xf32>,
        tpu.vector_store_idx %arg11[%broadcast_in_dim3A_330, %add3A_50], %scan3A_319 : memref<32x256xf32, #tpu.memory_space<vmem>>[vector<16xi32>, vector<16xi32>], vector<16xf32>,
        %add3A_341 = arith.addf %scan3A_319, %gather3A_340 : vector<16xf32>
        %gather3A_342 = tpu.vector_load_idx %arg7[%broadcast_in_dim3A_330, %add3A_53] : memref<32x256xf32, #tpu.memory_space<vmem>>[vector<16xi32>, vector<16xi32>], vector<16xf32>,
        tpu.vector_store_idx %arg11[%broadcast_in_dim3A_330, %add3A_53], %scan3A_320 : memref<32x256xf32, #tpu.memory_space<vmem>>[vector<16xi32>, vector<16xi32>], vector<16xf32>,
        %add3A_343 = arith.addf %scan3A_320, %gather3A_342 : vector<16xf32>
        %gather3A_344 = tpu.vector_load_idx %arg7[%broadcast_in_dim3A_330, %add3A_56] : memref<32x256xf32, #tpu.memory_space<vmem>>[vector<16xi32>, vector<16xi32>], vector<16xf32>,
        tpu.vector_store_idx %arg11[%broadcast_in_dim3A_330, %add3A_56], %scan3A_321 : memref<32x256xf32, #tpu.memory_space<vmem>>[vector<16xi32>, vector<16xi32>], vector<16xf32>,
        %add3A_345 = arith.addf %scan3A_321, %gather3A_344 : vector<16xf32>
        %gather3A_346 = tpu.vector_load_idx %arg7[%broadcast_in_dim3A_330, %add3A_59] : memref<32x256xf32, #tpu.memory_space<vmem>>[vector<16xi32>, vector<16xi32>], vector<16xf32>,
        tpu.vector_store_idx %arg11[%broadcast_in_dim3A_330, %add3A_59], %scan3A_322 : memref<32x256xf32, #tpu.memory_space<vmem>>[vector<16xi32>, vector<16xi32>], vector<16xf32>,
        %add3A_347 = arith.addf %scan3A_322, %gather3A_346 : vector<16xf32>
        %gather3A_348 = tpu.vector_load_idx %arg7[%broadcast_in_dim3A_330, %add3A_62] : memref<32x256xf32, #tpu.memory_space<vmem>>[vector<16xi32>, vector<16xi32>], vector<16xf32>,
        tpu.vector_store_idx %arg11[%broadcast_in_dim3A_330, %add3A_62], %scan3A_323 : memref<32x256xf32, #tpu.memory_space<vmem>>[vector<16xi32>, vector<16xi32>], vector<16xf32>,
        %add3A_349 = arith.addf %scan3A_323, %gather3A_348 : vector<16xf32>
        %gather3A_350 = tpu.vector_load_idx %arg7[%broadcast_in_dim3A_330, %add3A_65] : memref<32x256xf32, #tpu.memory_space<vmem>>[vector<16xi32>, vector<16xi32>], vector<16xf32>,
        tpu.vector_store_idx %arg11[%broadcast_in_dim3A_330, %add3A_65], %scan3A_324 : memref<32x256xf32, #tpu.memory_space<vmem>>[vector<16xi32>, vector<16xi32>], vector<16xf32>,
        %add3A_351 = arith.addf %scan3A_324, %gather3A_350 : vector<16xf32>
        %gather3A_352 = tpu.vector_load_idx %arg7[%broadcast_in_dim3A_330, %add3A_68] : memref<32x256xf32, #tpu.memory_space<vmem>>[vector<16xi32>, vector<16xi32>], vector<16xf32>,
        tpu.vector_store_idx %arg11[%broadcast_in_dim3A_330, %add3A_68], %scan3A_325 : memref<32x256xf32, #tpu.memory_space<vmem>>[vector<16xi32>, vector<16xi32>], vector<16xf32>,
        %add3A_353 = arith.addf %scan3A_325, %gather3A_352 : vector<16xf32>
        %gather3A_354 = tpu.vector_load_idx %arg7[%broadcast_in_dim3A_330, %add3A_71] : memref<32x256xf32, #tpu.memory_space<vmem>>[vector<16xi32>, vector<16xi32>], vector<16xf32>,
        tpu.vector_store_idx %arg11[%broadcast_in_dim3A_330, %add3A_71], %scan3A_326 : memref<32x256xf32, #tpu.memory_space<vmem>>[vector<16xi32>, vector<16xi32>], vector<16xf32>,
        %add3A_355 = arith.addf %scan3A_326, %gather3A_354 : vector<16xf32>
        %gather3A_356 = tpu.vector_load_idx %arg7[%broadcast_in_dim3A_330, %add3A_74] : memref<32x256xf32, #tpu.memory_space<vmem>>[vector<16xi32>, vector<16xi32>], vector<16xf32>,
        tpu.vector_store_idx %arg11[%broadcast_in_dim3A_330, %add3A_74], %scan3A_327 : memref<32x256xf32, #tpu.memory_space<vmem>>[vector<16xi32>, vector<16xi32>], vector<16xf32>,
        %add3A_357 = arith.addf %scan3A_327, %gather3A_356 : vector<16xf32>
        %gather3A_358 = tpu.vector_load_idx %arg7[%broadcast_in_dim3A_330, %add3A_77] : memref<32x256xf32, #tpu.memory_space<vmem>>[vector<16xi32>, vector<16xi32>], vector<16xf32>,
        tpu.vector_store_idx %arg11[%broadcast_in_dim3A_330, %add3A_77], %scan3A_328 : memref<32x256xf32, #tpu.memory_space<vmem>>[vector<16xi32>, vector<16xi32>], vector<16xf32>,
        %add3A_359 = arith.addf %scan3A_328, %gather3A_358 : vector<16xf32>
        %gather3A_360 = tpu.vector_load_idx %arg7[%broadcast_in_dim3A_330, %add3A_80] : memref<32x256xf32, #tpu.memory_space<vmem>>[vector<16xi32>, vector<16xi32>], vector<16xf32>,
        tpu.vector_store_idx %arg11[%broadcast_in_dim3A_330, %add3A_80], %scan3A_329 : memref<32x256xf32, #tpu.memory_space<vmem>>[vector<16xi32>, vector<16xi32>], vector<16xf32>,
        %add3A_361 = arith.addf %scan3A_329, %gather3A_360 : vector<16xf32>
        scf.yield %add3A_331, %add3A_333, %add3A_335, %add3A_337, %add3A_339, %add3A_341, %add3A_343, %add3A_345, %add3A_347, %add3A_349, %add3A_351, %add3A_353, %add3A_355, %add3A_357, %add3A_359, %add3A_361 : vector<16xf32>, vector<16xf32>, vector<16xf32>, vector<16xf32>, vector<16xf32>, vector<16xf32>, vector<16xf32>, vector<16xf32>, vector<16xf32>, vector<16xf32>, vector<16xf32>, vector<16xf32>, vector<16xf32>, vector<16xf32>, vector<16xf32>, vector<16xf32>
      }
      %scan3A_299 = arith.constant 32 : i32
      %mul3A_300 = arith.constant 32 : i32
      %mul3A_301 = arith.muli %add3A_282, %mul3A_300 : i32
      %dma_start3A_302 = tpu.memref_slice %arg3[%select_n3A, %mul3A_301, %mul3A_32] : memref<4x4096x2048xf32, #tpu.memory_space<hbm>> -> memref<1x32x256xf32, #tpu.memory_space<hbm>>
      %dma_start3A_303 = tpu.memref_squeeze %dma_start3A_302 : memref<1x32x256xf32, #tpu.memory_space<hbm>> -> memref<32x256xf32, #tpu.memory_space<hbm>>
      %dma_start3A_304 = tpu.memref_slice %arg3[%select_n3A, %mul3A_301, %mul3A_32] : memref<4x4096x2048xf32, #tpu.memory_space<hbm>> -> memref<1x32x256xf32, #tpu.memory_space<hbm>>
      %dma_start3A_305 = tpu.memref_squeeze %dma_start3A_304 : memref<1x32x256xf32, #tpu.memory_space<hbm>> -> memref<32x256xf32, #tpu.memory_space<hbm>>
      tpu.enqueue_dma source(%arg11 : memref<32x256xf32, #tpu.memory_space<vmem>>) target(%dma_start3A_305 : memref<32x256xf32, #tpu.memory_space<hbm>>) target_semaphore(%arg19 : memref<!tpu.dma_semaphore, #tpu.memory_space<semaphore_mem>>)
      %add3A_306 = arith.constant 4 : i32
      %add3A_307 = arith.addi %add3A_282, %add3A_306 : i32
      %lt3A_308 = arith.constant 128 : i32
      %lt3A_309 = arith.cmpi slt, %add3A_307, %lt3A_308 : i32
      %convert_element_type3A_310 = arith.extui %lt3A_309 : i1 to i32
      %cond3A_311 = arith.constant 0 : i32
      %cond3A_312 = arith.cmpi ne, %convert_element_type3A_310, %cond3A_311 : i32
      scf.if %cond3A_312 {
        %add3A_313 = arith.constant 4 : i32
        %add3A_314 = arith.addi %add3A_282, %add3A_313 : i32
        %mul3A_315 = arith.constant 32 : i32
        %mul3A_316 = arith.muli %add3A_314, %mul3A_315 : i32
        %dma_start3A_317 = tpu.memref_slice %arg2[%select_n3A, %mul3A_316, %mul3A_32] : memref<4x4096x2048xf32, #tpu.memory_space<hbm>> -> memref<1x32x256xf32, #tpu.memory_space<hbm>>
        %dma_start3A_318 = tpu.memref_squeeze %dma_start3A_317 : memref<1x32x256xf32, #tpu.memory_space<hbm>> -> memref<32x256xf32, #tpu.memory_space<hbm>>
        %dma_start3A_319 = tpu.memref_slice %arg2[%select_n3A, %mul3A_316, %mul3A_32] : memref<4x4096x2048xf32, #tpu.memory_space<hbm>> -> memref<1x32x256xf32, #tpu.memory_space<hbm>>
        %dma_start3A_320 = tpu.memref_squeeze %dma_start3A_319 : memref<1x32x256xf32, #tpu.memory_space<hbm>> -> memref<32x256xf32, #tpu.memory_space<hbm>>
        tpu.enqueue_dma source(%dma_start3A_320 : memref<32x256xf32, #tpu.memory_space<hbm>>) target(%arg7 : memref<32x256xf32, #tpu.memory_space<vmem>>) target_semaphore(%arg15 : memref<!tpu.dma_semaphore, #tpu.memory_space<semaphore_mem>>)
      } else {
      }
      scf.yield %scan3A_298#0, %scan3A_298#1, %scan3A_298#2, %scan3A_298#3, %scan3A_298#4, %scan3A_298#5, %scan3A_298#6, %scan3A_298#7, %scan3A_298#8, %scan3A_298#9, %scan3A_298#10, %scan3A_298#11, %scan3A_298#12, %scan3A_298#13, %scan3A_298#14, %scan3A_298#15 : vector<16xf32>, vector<16xf32>, vector<16xf32>, vector<16xf32>, vector<16xf32>, vector<16xf32>, vector<16xf32>, vector<16xf32>, vector<16xf32>, vector<16xf32>, vector<16xf32>, vector<16xf32>, vector<16xf32>, vector<16xf32>, vector<16xf32>, vector<16xf32>
    }
    %scan3A_139 = arith.constant 32 : i32
    %dma_wait3A = arith.constant 3968 : i32
    %dma_wait3A_140 = tpu.memref_slice %arg3[%select_n3A, %dma_wait3A, %mul3A_32] : memref<4x4096x2048xf32, #tpu.memory_space<hbm>> -> memref<1x32x256xf32, #tpu.memory_space<hbm>>
    %dma_wait3A_141 = tpu.memref_squeeze %dma_wait3A_140 : memref<1x32x256xf32, #tpu.memory_space<hbm>> -> memref<32x256xf32, #tpu.memory_space<hbm>>
    %dma_wait3A_142 = arith.constant 3968 : i32
    %dma_wait3A_143 = tpu.memref_slice %arg3[%select_n3A, %dma_wait3A_142, %mul3A_32] : memref<4x4096x2048xf32, #tpu.memory_space<hbm>> -> memref<1x32x256xf32, #tpu.memory_space<hbm>>
    %dma_wait3A_144 = tpu.memref_squeeze %dma_wait3A_143 : memref<1x32x256xf32, #tpu.memory_space<hbm>> -> memref<32x256xf32, #tpu.memory_space<hbm>>
    tpu.wait_dma2 semaphore(%arg16 : memref<!tpu.dma_semaphore, #tpu.memory_space<semaphore_mem>>) src(%arg8 : memref<32x256xf32, #tpu.memory_space<vmem>>) dst(%dma_wait3A_144 : memref<32x256xf32, #tpu.memory_space<hbm>>)
    %dma_wait3A_145 = arith.constant 4000 : i32
    %dma_wait3A_146 = tpu.memref_slice %arg3[%select_n3A, %dma_wait3A_145, %mul3A_32] : memref<4x4096x2048xf32, #tpu.memory_space<hbm>> -> memref<1x32x256xf32, #tpu.memory_space<hbm>>
    %dma_wait3A_147 = tpu.memref_squeeze %dma_wait3A_146 : memref<1x32x256xf32, #tpu.memory_space<hbm>> -> memref<32x256xf32, #tpu.memory_space<hbm>>
    %dma_wait3A_148 = arith.constant 4000 : i32
    %dma_wait3A_149 = tpu.memref_slice %arg3[%select_n3A, %dma_wait3A_148, %mul3A_32] : memref<4x4096x2048xf32, #tpu.memory_space<hbm>> -> memref<1x32x256xf32, #tpu.memory_space<hbm>>
    %dma_wait3A_150 = tpu.memref_squeeze %dma_wait3A_149 : memref<1x32x256xf32, #tpu.memory_space<hbm>> -> memref<32x256xf32, #tpu.memory_space<hbm>>
    tpu.wait_dma2 semaphore(%arg17 : memref<!tpu.dma_semaphore, #tpu.memory_space<semaphore_mem>>) src(%arg9 : memref<32x256xf32, #tpu.memory_space<vmem>>) dst(%dma_wait3A_150 : memref<32x256xf32, #tpu.memory_space<hbm>>)
    %dma_wait3A_151 = arith.constant 4032 : i32
    %dma_wait3A_152 = tpu.memref_slice %arg3[%select_n3A, %dma_wait3A_151, %mul3A_32] : memref<4x4096x2048xf32, #tpu.memory_space<hbm>> -> memref<1x32x256xf32, #tpu.memory_space<hbm>>
    %dma_wait3A_153 = tpu.memref_squeeze %dma_wait3A_152 : memref<1x32x256xf32, #tpu.memory_space<hbm>> -> memref<32x256xf32, #tpu.memory_space<hbm>>
    %dma_wait3A_154 = arith.constant 4032 : i32
    %dma_wait3A_155 = tpu.memref_slice %arg3[%select_n3A, %dma_wait3A_154, %mul3A_32] : memref<4x4096x2048xf32, #tpu.memory_space<hbm>> -> memref<1x32x256xf32, #tpu.memory_space<hbm>>
    %dma_wait3A_156 = tpu.memref_squeeze %dma_wait3A_155 : memref<1x32x256xf32, #tpu.memory_space<hbm>> -> memref<32x256xf32, #tpu.memory_space<hbm>>
    tpu.wait_dma2 semaphore(%arg18 : memref<!tpu.dma_semaphore, #tpu.memory_space<semaphore_mem>>) src(%arg10 : memref<32x256xf32, #tpu.memory_space<vmem>>) dst(%dma_wait3A_156 : memref<32x256xf32, #tpu.memory_space<hbm>>)
    %dma_wait3A_157 = arith.constant 4064 : i32
    %dma_wait3A_158 = tpu.memref_slice %arg3[%select_n3A, %dma_wait3A_157, %mul3A_32] : memref<4x4096x2048xf32, #tpu.memory_space<hbm>> -> memref<1x32x256xf32, #tpu.memory_space<hbm>>
    %dma_wait3A_159 = tpu.memref_squeeze %dma_wait3A_158 : memref<1x32x256xf32, #tpu.memory_space<hbm>> -> memref<32x256xf32, #tpu.memory_space<hbm>>
    %dma_wait3A_160 = arith.constant 4064 : i32
    %dma_wait3A_161 = tpu.memref_slice %arg3[%select_n3A, %dma_wait3A_160, %mul3A_32] : memref<4x4096x2048xf32, #tpu.memory_space<hbm>> -> memref<1x32x256xf32, #tpu.memory_space<hbm>>
    %dma_wait3A_162 = tpu.memref_squeeze %dma_wait3A_161 : memref<1x32x256xf32, #tpu.memory_space<hbm>> -> memref<32x256xf32, #tpu.memory_space<hbm>>
    tpu.wait_dma2 semaphore(%arg19 : memref<!tpu.dma_semaphore, #tpu.memory_space<semaphore_mem>>) src(%arg11 : memref<32x256xf32, #tpu.memory_space<vmem>>) dst(%dma_wait3A_162 : memref<32x256xf32, #tpu.memory_space<hbm>>)
    return
  }
}

</mosaic_0001>

<sc_bundles>
// kernel: kernel.3.cloned.1.call-start
scs
__scs_entry_jumppad:
0x0: {  	(pc) =	sbr.rel $0x88, $3  }
0x1: {  	(tag) =	ssettag $0x0;
	lr =	simm.s32 $0x1  }
0x2: {  	[smem:$0x3FA0] =	sst lr;
	_ =	strace $0xD0000000  }
0x3: {  	_ = 	snop  }
0x4: {  	_ = 	snop  }
0x5: {  	_ = 	snop  }
0x6: {  	_ = 	snop  }
0x7: {  	_ = 	snop  }
__scs_overlays_trampoline_lowered:
0x8: {  	[smem:$0x3FAF] =	sst s0  }
0x9: {  	[smem:$0x3FB0] =	sst s1  }
0xa: {  	[smem:$0x3FB1] =	sst s2  }
0xb: {  	[smem:$0x3FB2] =	sst s3  }
0xc: {  	[smem:$0x3FB3] =	sst s4  }
0xd: {  	[smem:$0x3FB4] =	sst s5  }
0xe: {  	[smem:$0x3FB5] =	sst s6  }
0xf: {  	[smem:$0x3FB6] =	sst s7  }
0x10: {  	[smem:$0x3FB7] =	sst s8  }
0x11: {  	[smem:$0x3FB8] =	sst s9;
	s0 =	simm.s32 @!p0 $0x0  }
0x12: {  	s1 =	sld [smem:$0x3F9E];
	s0 =	simm.s32 @p0 $0x1  }
0x13: {  	[smem:$0x3FB9] =	sst s0;
	s0 =	simm.s32 @!p1 $0x0  }
0x14: {  	s2 =	sld [smem:$0x3F9D];
	s0 =	simm.s32 @p1 $0x1  }
0x15: {  	[smem:$0x3FBA] =	sst s0;
	s0 =	simm.s32 @!p2 $0x0  }
0x16: {  	s3 =	sld [smem:$0x3FDB];
	s0 =	simm.s32 @p2 $0x1  }
0x17: {  	s4 =	simm.s32 $0x1BF5;
	[smem:$0x3FBC] =	sst s0  }
0x18: {  	s0 =	sld [smem:$0x3F9F];
	_ =	swait.ge [sflag:s4], $0x0  }
0x19: {  	s7 =	sld [smem:$0x3FA0]  }
0x1a: {  	s8 =	sadd.s32 $0xFFFFE003, lr  }
0x1b: {  	s9 =	sadd.s32 $0xFFFFFEF7, lr;
	s5 =	simm.s32 $0xFFFFFFFF;
	p2 =	slt.u32 s8, $0xFFFFF086  }
0x1c: {  	p1 =	slt.u32 s9, $0xF7A;
	s5 =	simm.s32 @!p2 $0x0  }
0x1d: {  	s5 =	simm.s32 @p1 $0x1;
	p0 =	seq.s32 s7, s2  }
0x1e: {  	s7 =	smul.u32 @!p0 $0xF7A, s2;
	p2 =	seq.s32 @!p0 s5, $0x0  }
0x1f: {  	s9 =	smul.u32 $0xF7A, s1;
	s8 =	simm.s32 @!p0 $0x1BF5;
	p2 =	por !p2, p0  }
0x20: {  	[sflag:s8] =	ssyncset.s32 @!p0 $0xFFFFF086;
	s6 =	sadd.s32 @!p0 s3, s7;
	s7 =	simm.s32 @!p0 $0x108  }
0x21: {  	s3 =	sadd.s32 s3, s9;
	s6 =	sadd.s32 @!p0 $0x88, s6;
	s7 =	simm.s32 @p2 $0x1082  }
0x22: {  	[simem:s7], [sflag:s8] =	dma.local @!p0 [hbm:s6], $0xF7A  }
0x23: {  	s9 =	sor.u32 $0xD0000000, s2;
	s6 =	simm.s32 $0x108;
	_ =	swait.ge @!p0 [sflag:s8], $0x0  }
0x24: {  	s3 =	sadd.s32 $0x88, s3;
	s6 =	simm.s32 @!p1 $0x1082;
	[sflag:s4] =	ssyncset.s32 $0xFFFFF086  }
0x25: {  	[simem:s6], [sflag:s4] =	dma.local [hbm:s3], $0xF7A  }
0x26: {  	[smem:$0x3FA0] =	sst s1;
	(tag) =	ssettag s2;
	_ =	strace s9  }
0x27: {  	s1 =	sld [smem:$0x3FB0]  }
0x28: {  	s2 =	sld [smem:$0x3FB1]  }
0x29: {  	s4 =	sld [smem:$0x3FB3]  }
0x2a: {  	p0 =	seq.s32 s5, $0x0;
	s5 =	sld [smem:$0x3FB4]  }
0x2b: {  	s6 =	sld [smem:$0x3FB5]  }
0x2c: {  	s7 =	sld [smem:$0x3FB6]  }
0x2d: {  	s3 =	simm.s32 $0x108;
	s8 =	sld [smem:$0x3FB7]  }
0x2e: {  	s3 =	simm.s32 @!p0 $0x1082;
	s9 =	sld [smem:$0x3FB8]  }
0x2f: {  	lr =	sadd.s32 s0, s3;
	s0 =	sld [smem:$0x3FAF]  }
0x30: {  	s3 =	sld [smem:$0x3FB2]  }
0x31: {  	[smem:$0x3FBB] =	sst s10  }
0x32: {  	s10 =	sld [smem:$0x3FB9];
	_ =	sdelay $0x3  }
0x33: {  	p0 =	seq.s32 s10, $0x1;
	s10 =	sld [smem:$0x3FBB];
	_ =	sdelay $0x3  }
0x34: {  	[smem:$0x3FBB] =	sst s10  }
0x35: {  	s10 =	sld [smem:$0x3FBA];
	_ =	sdelay $0x3  }
0x36: {  	p1 =	seq.s32 s10, $0x1;
	s10 =	sld [smem:$0x3FBB];
	_ =	sdelay $0x3  }
0x37: {  	[smem:$0x3FBB] =	sst s10  }
0x38: {  	s10 =	sld [smem:$0x3FBC]  }
0x39: {  	_ = 	snop;
	(pc) =	sbr.ind lr, $3  }
0x3a: {  	_ = 	snop  }
0x3b: {  	_ = 	snop  }
0x3c: {  	p2 =	seq.s32 s10, $0x1;
	s10 =	sld [smem:$0x3FBB]  }
0x3d: {  	_ =	shalt  }
0x3e: {  	_ =	shalt  }
0x3f: {  	_ =	shalt  }
0x40: {  	_ =	shalt  }
0x41: {  	_ =	shalt  }
0x42: {  	_ =	shalt  }
0x43: {  	_ =	shalt  }
0x44: {  	_ =	shalt  }
0x45: {  	_ =	shalt  }
0x46: {  	_ =	shalt  }
0x47: {  	_ =	shalt  }
0x48: {  	_ =	shalt  }
0x49: {  	_ =	shalt  }
0x4a: {  	_ =	shalt  }
0x4b: {  	_ =	shalt  }
0x4c: {  	_ =	shalt  }
0x4d: {  	_ =	shalt  }
0x4e: {  	_ =	shalt  }
0x4f: {  	_ =	shalt  }
0x50: {  	_ =	shalt  }
0x51: {  	_ =	shalt  }
0x52: {  	_ =	shalt  }
0x53: {  	_ =	shalt  }
0x54: {  	_ =	shalt  }
0x55: {  	_ =	shalt  }
0x56: {  	_ =	shalt  }
0x57: {  	_ =	shalt  }
0x58: {  	_ =	shalt  }
0x59: {  	_ =	shalt  }
0x5a: {  	_ =	shalt  }
0x5b: {  	_ =	shalt  }
0x5c: {  	_ =	shalt  }
0x5d: {  	_ =	shalt  }
0x5e: {  	_ =	shalt  }
0x5f: {  	_ =	shalt  }
0x60: {  	_ =	shalt  }
0x61: {  	_ =	shalt  }
0x62: {  	_ =	shalt  }
0x63: {  	_ =	shalt  }
0x64: {  	_ =	shalt  }
0x65: {  	_ =	shalt  }
0x66: {  	_ =	shalt  }
0x67: {  	_ =	shalt  }
0x68: {  	_ =	shalt  }
0x69: {  	_ =	shalt  }
0x6a: {  	_ =	shalt  }
0x6b: {  	_ =	shalt  }
0x6c: {  	_ =	shalt  }
0x6d: {  	_ =	shalt  }
0x6e: {  	_ =	shalt  }
0x6f: {  	_ =	shalt  }
0x70: {  	_ =	shalt  }
0x71: {  	_ =	shalt  }
0x72: {  	_ =	shalt  }
0x73: {  	_ =	shalt  }
0x74: {  	_ =	shalt  }
0x75: {  	_ =	shalt  }
0x76: {  	_ =	shalt  }
0x77: {  	_ =	shalt  }
0x78: {  	_ =	shalt  }
0x79: {  	_ =	shalt  }
0x7a: {  	_ =	shalt  }
0x7b: {  	_ =	shalt  }
0x7c: {  	_ =	shalt  }
0x7d: {  	_ =	shalt  }
0x7e: {  	_ =	shalt  }
0x7f: {  	_ =	shalt  }
0x80: {  	_ =	shalt  }
0x81: {  	_ =	shalt  }
0x82: {  	_ =	shalt  }
0x83: {  	_ =	shalt  }
0x84: {  	_ =	shalt  }
0x85: {  	_ =	shalt  }
0x86: {  	_ =	shalt  }
0x87: {  	_ =	shalt  }
.Lfunc_end0:
.L_simem_size_0:
called_computation_lowered:
.L_overlay_start_0:
0x88: {  	s2 =	sld [smem:$0x3FD9]  }
0x89: {  	s3 =	sld [smem:$0x3FFE];
	_ =	sdelay $0x1  }
0x8a: {  	s1 =	srdreg.scid  }
0x8b: {  	s0 =	sand.u32 $0x1, s1  }
0x8c: {  	s18 =	sshll.u32 s0, $0xA;
	s2 =	sadd.s32 s3, s2  }
0x8d: {  	s2 =	sadd.s32 s2, s18  }
0x8e: {  	[smem:$0x3FC7] =	sst s2  }
0x8f: {  	_ = 	snop  }
0x90: {  	s2 =	sld [smem:$0x3FC9]  }
0x91: {  	s19 =	sld [smem:$0x3FD0];
	(tm) =	ssettm $0x1  }
0x92: {  	s4 =	sld [smem:$0x3FFB];
	_ =	sdelay $0x3  }
0x93: {  	_ =	strace s4  }
0x94: {  	s4 =	sld [smem:$0x3FFC];
	_ =	sdelay $0x3  }
0x95: {  	_ =	strace s4  }
0x96: {  	s4 =	sld [smem:$0x3FFD];
	_ =	sdelay $0x3  }
0x97: {  	_ =	strace s4  }
0x98: {  	_ =	strace $0x8FFFFFFF  }
0x99: {  	s20 =	sld [smem:$0x3FDB];
	_ =	sdelay $0x1  }
0x9a: {  	s5 =	simm.s32 $_scs_section_size  }
0x9b: {  	s6 =	simm.s32 $_size__tile_overlayer_lowered;
	s7 =	simm.s32 $_tile_overlayer_lowered  }
0x9c: {  	s23 =	simm.s32 $0x1BFF;
	s22 =	sshll.u32 s7, $0x1;
	s4 =	sadd.s32 s5, s20  }
0x9d: {  	s8 =	simm.s32 $0x0;
	s21 =	sshll.u32 s6, $0x1;
	s6 =	sadd.s32 s22, s4  }
0x9e: {  	[timem:s8], [sflag:s23] =	dma.local [hbm:s6], s21  }
0x9f: {  	_ =	swait.ge [sflag:s23], s21  }
0xa0: {  	s5 =	ssub.s32 $0x0, s21;
	[sflag:s23] =	ssyncset.done $0x0  }
0xa1: {  	[sflag:s23] =	ssyncadd.s32 s5;
	_ =	sdelay $0x1  }
0xa2: {  	s24 =	simm.s32 $0x1B8B  }
0xa3: {  	_ =	swait.ge [sflag:s24], $0x1  }
0xa4: {  	[sflag:s24] =	ssyncset.done $0x0  }
0xa5: {  	s25 =	simm.s32 $0x1B8E;
	[sflag:s24] =	ssyncadd.s32 $0xFFFFFFFF  }
0xa6: {  	s26 =	simm.s32 $execute0_lowered;
	[smem:$0x3FD2] =	sst s25  }
0xa7: {  	s5 =	sshll.u32 s26, $0x1;
	_ =	strace $0x80000046;
	[dreg:$0x1] =	wrdreg $0xFFFFFFFF  }
0xa8: {  	s28 =	simm.s32 $_size_execute0_lowered;
	s4 =	sadd.s32 s4, s5;
	[dreg:$0x0] =	wrdreg $0x0  }
0xa9: {  	s5 =	sshll.u32 s28, $0x1;
	[dreg:$0x2] =	wrdreg s4  }
0xaa: {  	[dreg:$0x3] =	wrdreg s5  }
0xab: {  	[dreg:$0x4] =	wrdreg $0xC0  }
0xac: {  	_ =	task [dreg:s8], $0x5FFFF  }
0xad: {  	[dreg:$0x1] =	wrdreg $0xFFFFFFFF  }
0xae: {  	[dreg:$0x0] =	wrdreg $0x60  }
0xaf: {  	[dreg:$0x2] =	wrdreg s2  }
0xb0: {  	[dreg:$0x3] =	wrdreg s19  }
0xb1: {  	[dreg:$0x4] =	wrdreg $0x9  }
0xb2: {  	_ =	task.clear_ibuf [dreg:s8], $0x5FFFF;
	_ =	strace $0x90000046  }
0xb3: {  	s29 =	simm.s32 $0x9;
	_ =	strace $0x80000048  }
0xb4: {  	_ =	swait.ge [sflag:s29], $0x1  }
0xb5: {  	[sflag:s29] =	ssyncadd.s32 $0xFFFFFFFF  }
0xb6: {  	_ =	strace $0x90000048  }
0xb7: {  	_ =	sfence  }
0xb8: {  	s30 =	sld [smem:$0x0];
	_ =	sdelay $0x2  }
0xb9: {  	s31 =	sshll.u32 s1, $0xD;
	s1 =	sshrl.u32 s1, $0x2  }
0xba: {  	s3 =	sand.u32 $0x4000, s31;
	s1 =	sadd.s32 s1, s30  }
0xbb: {  	s0 =	sor.u32 s3, s0;
	s1 =	sshll.u32 s1, $0x11  }
0xbc: {  	s0 =	sor.u32 s1, s0  }
0xbd: {  	s0 =	sadd.s32 $0x8F2B, s0  }
0xbe: {  	[sflag:s0] =	ssyncadd.remote.s32 $0x1  }
0xbf: {  	_ =	sfence.sel $0xFFFF  }
0xc0: {  	[dreg:$0x0] =	wrdreg $0xFFFFFFFF;
	(pc) =	sbr.abs _section_cstart, $3  }
0xc1: {  	[dreg:$0x1] =	wrdreg $0xFFFFFFFF  }
0xc2: {  	_ =	task.clear_ibuf [dreg:s8], $0x2FFFF;
	_ =	strace $0x9FFFFFFF  }
0xc3: {  	(tm) =	ssettm $0x7FFFFFFF  }
tec
execute0_lowered:
.L_overlay_start_1:
0x0: {  	(tag) =	ssettag $0x1  }
0x1: {  	s3 =	stileid.u32  }
0x2: {  	s0 =	srdreg.scid;
	s2 =	rddreg [dreg:$0x0];
	s5 =	simm.s32 $0x0  }
0x3: {  	s15 =	simm.s32 $0x800;
	s16 =	simm.s32 $0x4000;
	s17 =	simm.s32 $0x2000  }
0x4: {  	s18 =	simm.s32 $0x6000;
	s19 =	simm.s32 $0x1;
	s20 =	simm.s32 $0x8000  }
0x5: {  	s21 =	simm.s32 $0x2;
	s22 =	simm.s32 $0x6;
	s23 =	simm.s32 $0xA000  }
0x6: {  	s24 =	simm.s32 $0x3;
	s28 =	simm.s32 $0x4;
	s1 =	sshll.u32 s3, $0x1  }
0x7: {  	s29 =	simm.s32 $0x8;
	s0 =	sand.u32 $0x1, s0;
	s1 =	sand.u32 $0x6, s1  }
0x8: {  	s30 =	simm.s32 $0xE000;
	s4 =	sshll.u32 s3, $0x15;
	s1 =	sor.u32 s0, s1  }
0x9: {  	s31 =	simm.s32 $0x5;
	s4 =	sand.u32 $0x1800000, s4;
	s1 =	sshll.u32 s1, $0xB  }
0xa: {  	s3 =	rddreg [dreg:$0x1];
	s0 =	ssub.s32 $0x2, s0;
	s4 =	sor.u32 s4, s1  }
0xb: {  	[smem:$0x7FF] =	sst s5;
	s7 =	sshrl.u32 s0, $0x1;
	s1 =	sshrl.u32 s4, $0x3  }
0xc: {  	v0 =	vlaneseq.u32;
	_ =	strace $0x80000047;
	s0 =	ssub.s32 s0, s7;
	s6 =	sadd.s32 s2, s1  }
.Ltmp0:
0xd: {  	v1 =	vor.u32 $0x10, v0;
	v2 =	vor.u32 $0x20, v0;
	v3 =	vor.u32 $0x30, v0;
	s10 =	sor.u32 $0x40000, s4;
	s1 =	sadd.s32 $0x2000, s6;
	(pc) =	sbr.rel .LBB2_1-.Ltmp0, $4  }
0xe: {  	v4 =	vor.u32 $0x40, v0;
	v5 =	vor.u32 $0x50, v0;
	v6 =	vor.u32 $0x60, v0;
	s11 =	sor.u32 $0x50000, s4;
	s25 =	sadd.s32 $0x4000, s6;
	[dreg:$0x3] =	wrdreg s1  }
0xf: {  	v7 =	vor.u32 $0x70, v0;
	v8 =	vor.u32 $0x400, v0;
	v9 =	vor.u32 $0x410, v0;
	s12 =	sor.u32 $0x60000, s4;
	s26 =	sadd.s32 $0x6000, s6;
	[dreg:$0x4] =	wrdreg s25  }
0x10: {  	v10 =	vor.u32 $0x420, v0;
	v11 =	vor.u32 $0x430, v0;
	v12 =	vor.u32 $0x440, v0;
	s13 =	sor.u32 $0x70000, s4;
	s14 =	smax.u32 s0, $0x1;
	[dreg:$0x5] =	wrdreg s26  }
0x11: {  	v13 =	vor.u32 $0x450, v0;
	v14 =	vor.u32 $0x460, v0;
	v15 =	vor.u32 $0x470, v0;
	s25 =	simm.s32 $0x7;
	s26 =	simm.s32 $0xC000;
	s1 =	simm.s32 $0x0  }
.LBB2_24:
0x12: {  	_ =	swait.ge [sflag:s31], $0x2000  }
0x13: {  	[sflag:s31] =	ssyncset.done $0x0  }
0x14: {  	[sflag:s31] =	ssyncadd.s32 $0xFFFFE000  }
0x15: {  	_ =	swait.ge [sflag:s22], $0x2000  }
0x16: {  	[sflag:s22] =	ssyncset.done $0x0  }
0x17: {  	s1 =	sadd.s32 $0x1, s1;
	[sflag:s22] =	ssyncadd.s32 $0xFFFFE000  }
0x18: {  	p0 =	sne.s32 s1, s14;
	_ =	swait.ge [sflag:s25], $0x2000  }
.Ltmp1:
0x19: {  	[sflag:s25] =	ssyncset.done $0x0;
	(pc) =	sbr.rel @!p0 .LBB2_25-.Ltmp1, $4  }
0x1a: {  	[sflag:s25] =	ssyncadd.s32 $0xFFFFE000  }
0x1b: {  	_ =	swait.ge [sflag:s29], $0x2000  }
0x1c: {  	[sflag:s29] =	ssyncset.done $0x0  }
0x1d: {  	[sflag:s29] =	ssyncadd.s32 $0xFFFFE000  }
.LBB2_1:
0x1e: {  	[tilespmem:s5], [sflag:$0x1] =	stream.strided.gather [hbm4b:s6+s15], $0x2000, s16, s15, $0x38;
	[tilespmem:$0x10000] =	vst v63  }
0x1f: {  	s0 =	rddreg [dreg:$0x3];
	v19 =	vimm.f32 $0.0e+00  }
0x20: {  	v16 =	vimm.f32 $0.0e+00;
	v18 =	vimm.f32 $0.0e+00;
	v17 =	vimm.f32 $0.0e+00;
	[tilespmem:s17], [sflag:$0x2] =	stream.strided.gather [hbm4b:s0+s15], $0x2000, s16, s15, $0x38;
	[tilespmem:$0x10000] =	vst v63  }
0x21: {  	s8 =	rddreg [dreg:$0x4];
	v20 =	vimm.f32 $0.0e+00;
	v21 =	vimm.f32 $0.0e+00;
	v22 =	vimm.f32 $0.0e+00  }
0x22: {  	v23 =	vimm.f32 $0.0e+00;
	v24 =	vimm.f32 $0.0e+00;
	v25 =	vimm.f32 $0.0e+00;
	[tilespmem:s16], [sflag:$0x3] =	stream.strided.gather [hbm4b:s8+s15], $0x2000, s16, s15, $0x38;
	[tilespmem:$0x10000] =	vst v63  }
0x23: {  	s9 =	rddreg [dreg:$0x5];
	v26 =	vimm.f32 $0.0e+00;
	v27 =	vimm.f32 $0.0e+00;
	v28 =	vimm.f32 $0.0e+00;
	s0 =	simm.s32 $0x0  }
0x24: {  	v29 =	vimm.f32 $0.0e+00;
	v30 =	vimm.f32 $0.0e+00;
	v31 =	vimm.f32 $0.0e+00;
	[tilespmem:s18], [sflag:$0x4] =	stream.strided.gather [hbm4b:s9+s15], $0x2000, s16, s15, $0x38;
	[tilespmem:$0x10000] =	vst v63  }
.LBB2_2:
0x25: {  	s7 =	simm.s32 $0x0  }
0x26: {  	v32 =	vmov s7  }
0x27: {  	v33 =	vshll.u32 v32, $0x8;
	v32 =	vshll.u32 v32, $0x7  }
0x28: {  	v33 =	vand.u32 $0x1800, v33;
	v32 =	vand.u32 $0x380, v32  }
0x29: {  	_ =	swait.ge [sflag:s19], $0x2000;
	v32 =	vor.u32 v32, v33  }
0x2a: {  	p0 =	seq.s32 s0, $0x0;
	[sflag:s19] =	ssyncset.done $0x0;
	v33 =	vor.u32 v0, v32  }
0x2b: {  	s7 =	simm.s32 @!p0 $0x5;
	[sflag:s19] =	ssyncadd.s32 $0xFFFFE000;
	v34 =	vor.u32 v1, v32  }
0x2c: {  	_ =	swait.ge @!p0 [sflag:s7], $0x2000;
	v35 =	vor.u32 v2, v32  }
0x2d: {  	[sflag:s7] =	ssyncset.done @!p0 $0x0;
	v37 =	vor.u32 v3, v32  }
0x2e: {  	[sflag:s7] =	ssyncadd.s32 @!p0 $0xFFFFE000;
	v56 =	vor.u32 v4, v32  }
0x2f: {  	v39 =	vor.u32 v5, v32;
	v36 =	vld.idx.msk [tilespmem:v33+s5+$0x0], $0xffff;
	[tilespmem:v33+s20+$0x0] =	vst.idx.msk $0xffff, v31  }
0x30: {  	v40 =	vor.u32 v6, v32;
	v38 =	vld.idx.msk [tilespmem:v34+s5+$0x0], $0xffff;
	[tilespmem:v34+s20+$0x0] =	vst.idx.msk $0xffff, v30  }
0x31: {  	v41 =	vor.u32 v7, v32;
	v34 =	vld.idx.msk [tilespmem:v35+s5+$0x0], $0xffff;
	[tilespmem:v35+s20+$0x0] =	vst.idx.msk $0xffff, v29  }
0x32: {  	v57 =	vor.u32 v8, v32;
	v35 =	vld.idx.msk [tilespmem:v37+s5+$0x0], $0xffff;
	[tilespmem:v37+s20+$0x0] =	vst.idx.msk $0xffff, v28  }
0x33: {  	v43 =	vor.u32 v9, v32;
	v37 =	vld.idx.msk [tilespmem:v56+s5+$0x0], $0xffff;
	[tilespmem:v56+s20+$0x0] =	vst.idx.msk $0xffff, v27  }
0x34: {  	v44 =	vor.u32 v10, v32;
	v42 =	vld.idx.msk [tilespmem:v39+s5+$0x0], $0xffff;
	[tilespmem:v39+s20+$0x0] =	vst.idx.msk $0xffff, v26  }
0x35: {  	v45 =	vor.u32 v11, v32;
	v39 =	vld.idx.msk [tilespmem:v40+s5+$0x0], $0xffff;
	[tilespmem:v40+s20+$0x0] =	vst.idx.msk $0xffff, v25  }
0x36: {  	s8 =	simm.s32 $0x1;
	v40 =	vld.idx.msk [tilespmem:v41+s5+$0x0], $0xffff;
	[tilespmem:v41+s20+$0x0] =	vst.idx.msk $0xffff, v24  }
0x37: {  	v48 =	vmov s8;
	v58 =	vor.u32 v12, v32;
	v41 =	vld.idx.msk [tilespmem:v57+s5+$0x0], $0xffff;
	[tilespmem:v57+s20+$0x0] =	vst.idx.msk $0xffff, v23  }
0x38: {  	v59 =	vshll.u32 v48, $0x8;
	v48 =	vshll.u32 v48, $0x7;
	v47 =	vor.u32 v13, v32;
	v46 =	vld.idx.msk [tilespmem:v43+s5+$0x0], $0xffff;
	[tilespmem:v43+s20+$0x0] =	vst.idx.msk $0xffff, v22  }
0x39: {  	v49 =	vor.u32 v14, v32;
	v51 =	vor.u32 v15, v32;
	v43 =	vld.idx.msk [tilespmem:v44+s5+$0x0], $0xffff;
	[tilespmem:v44+s20+$0x0] =	vst.idx.msk $0xffff, v21  }
0x3a: {  	v48 =	vand.u32 $0x380, v48;
	v52 =	vadd.f32 v36, v31;
	v44 =	vld.idx.msk [tilespmem:v45+s5+$0x0], $0xffff;
	[tilespmem:v45+s20+$0x0] =	vst.idx.msk $0xffff, v20;
	v45 =	vand.u32 $0x1800, v59  }
0x3b: {  	v53 =	vadd.f32 v38, v30;
	v54 =	vadd.f32 v34, v29;
	v33 =	vor.u32 v48, v45  }
0x3c: {  	v55 =	vadd.f32 v35, v28;
	v50 =	vld.idx.msk [tilespmem:v58+s5+$0x0], $0xffff;
	[tilespmem:v58+s20+$0x0] =	vst.idx.msk $0xffff, v17;
	v48 =	vor.u32 v0, v33  }
0x3d: {  	v29 =	vadd.f32 v39, v25;
	v28 =	vadd.f32 v40, v24;
	v45 =	vld.idx.msk [tilespmem:v47+s5+$0x0], $0xffff;
	v60 =	vor.u32 v1, v33  }
0x3e: {  	[tilespmem:v47+s20+$0x0] =	vst.idx.msk $0xffff, v18;
	v31 =	vor.u32 v2, v33;
	v30 =	vor.u32 v3, v33  }
0x3f: {  	v61 =	vor.u32 v4, v33;
	v62 =	vor.u32 v5, v33;
	v32 =	vld.idx.msk [tilespmem:v49+s5+$0x0], $0xffff;
	[tilespmem:v49+s20+$0x0] =	vst.idx.msk $0xffff, v16  }
0x40: {  	v57 =	vor.u32 v6, v33;
	v25 =	vor.u32 v7, v33;
	v49 =	vld.idx.msk [tilespmem:v51+s5+$0x0], $0xffff;
	[tilespmem:v51+s20+$0x0] =	vst.idx.msk $0xffff, v19  }
0x41: {  	v63 =	vor.u32 v9, v33;
	v24 =	vadd.f32 v46, v22;
	v51 =	vld.idx.msk [tilespmem:v48+s5+$0x0], $0xffff;
	[tilespmem:v48+s20+$0x0] =	vst.idx.msk $0xffff, v52  }
0x42: {  	v17 =	vadd.f32 v50, v17;
	v18 =	vadd.f32 v45, v18;
	v48 =	vld.idx.msk [tilespmem:v60+s5+$0x0], $0xffff;
	[tilespmem:v60+s20+$0x0] =	vst.idx.msk $0xffff, v53  }
0x43: {  	v47 =	vld.idx.msk [tilespmem:v31+s5+$0x0], $0xffff;
	[tilespmem:v31+s20+$0x0] =	vst.idx.msk $0xffff, v54;
	v31 =	vadd.f32 v37, v27;
	v27 =	vadd.f32 v41, v23  }
0x44: {  	v45 =	vor.u32 v14, v33;
	v23 =	vadd.f32 v43, v21;
	v21 =	vadd.f32 v44, v20  }
0x45: {  	v56 =	vld.idx.msk [tilespmem:v30+s5+$0x0], $0xffff;
	[tilespmem:v30+s20+$0x0] =	vst.idx.msk $0xffff, v55;
	v30 =	vadd.f32 v42, v26;
	v26 =	vor.u32 v8, v33  }
0x46: {  	s9 =	simm.s32 $0x2;
	v19 =	vadd.f32 v49, v19;
	v41 =	vor.u32 v10, v33;
	v35 =	vld.idx.msk [tilespmem:v61+s5+$0x0], $0xffff;
	[tilespmem:v61+s20+$0x0] =	vst.idx.msk $0xffff, v31  }
0x47: {  	v20 =	vmov s9;
	v43 =	vor.u32 v12, v33;
	v44 =	vor.u32 v13, v33;
	v36 =	vld.idx.msk [tilespmem:v62+s5+$0x0], $0xffff;
	[tilespmem:v62+s20+$0x0] =	vst.idx.msk $0xffff, v30  }
0x48: {  	v22 =	vshll.u32 v20, $0x8;
	v20 =	vshll.u32 v20, $0x7;
	v42 =	vor.u32 v11, v33;
	v37 =	vld.idx.msk [tilespmem:v57+s5+$0x0], $0xffff;
	[tilespmem:v57+s20+$0x0] =	vst.idx.msk $0xffff, v29  }
0x49: {  	v22 =	vand.u32 $0x1800, v22;
	v38 =	vld.idx.msk [tilespmem:v25+s5+$0x0], $0xffff;
	[tilespmem:v25+s20+$0x0] =	vst.idx.msk $0xffff, v28;
	v25 =	vand.u32 $0x380, v20;
	v20 =	vadd.f32 v51, v52  }
0x4a: {  	v34 =	vor.u32 v25, v22;
	v39 =	vld.idx.msk [tilespmem:v26+s5+$0x0], $0xffff;
	v22 =	vadd.f32 v48, v53;
	[tilespmem:v26+s20+$0x0] =	vst.idx.msk $0xffff, v27  }
0x4b: {  	s8 =	simm.s32 $0x3;
	s7 =	sshll.u32 s0, $0x12;
	v25 =	vadd.f32 v47, v54;
	v26 =	vadd.f32 v56, v55;
	v40 =	vld.idx.msk [tilespmem:v63+s5+$0x0], $0xffff;
	[tilespmem:v63+s20+$0x0] =	vst.idx.msk $0xffff, v24  }
.LBB2_3:
0x4c: {  	p1 =	sne.s32 s8, $0x1F;
	v31 =	vadd.f32 v35, v31;
	v35 =	vld.idx.msk [tilespmem:v41+s5+$0x0], $0xffff;
	[tilespmem:v41+s20+$0x0] =	vst.idx.msk $0xffff, v23;
	v41 =	vor.u32 v15, v33  }
0x4d: {  	v46 =	vor.u32 v0, v34;
	v30 =	vadd.f32 v36, v30;
	v36 =	vld.idx.msk [tilespmem:v42+s5+$0x0], $0xffff;
	[tilespmem:v42+s20+$0x0] =	vst.idx.msk $0xffff, v21  }
0x4e: {  	v16 =	vadd.f32 v32, v16;
	v29 =	vadd.f32 v37, v29;
	v37 =	vld.idx.msk [tilespmem:v43+s5+$0x0], $0xffff;
	[tilespmem:v43+s20+$0x0] =	vst.idx.msk $0xffff, v17  }
0x4f: {  	v33 =	vmov v34;
	v28 =	vadd.f32 v38, v28;
	v38 =	vld.idx.msk [tilespmem:v44+s5+$0x0], $0xffff;
	[tilespmem:v44+s20+$0x0] =	vst.idx.msk $0xffff, v18  }
0x50: {  	v34 =	vor.u32 v1, v33;
	v27 =	vadd.f32 v39, v27;
	v32 =	vld.idx.msk [tilespmem:v45+s5+$0x0], $0xffff;
	[tilespmem:v45+s20+$0x0] =	vst.idx.msk $0xffff, v16  }
0x51: {  	v39 =	vor.u32 v2, v33;
	v24 =	vadd.f32 v40, v24;
	v40 =	vld.idx.msk [tilespmem:v41+s5+$0x0], $0xffff;
	[tilespmem:v41+s20+$0x0] =	vst.idx.msk $0xffff, v19  }
0x52: {  	v42 =	vor.u32 v3, v33;
	v23 =	vadd.f32 v35, v23;
	v41 =	vld.idx.msk [tilespmem:v46+s5+$0x0], $0xffff  }
0x53: {  	v43 =	vor.u32 v4, v33;
	v21 =	vadd.f32 v36, v21  }
0x54: {  	v44 =	vor.u32 v5, v33;
	v17 =	vadd.f32 v37, v17;
	[tilespmem:v46+s20+$0x0] =	vst.idx.msk $0xffff, v20  }
0x55: {  	v35 =	vmov s8;
	v46 =	vor.u32 v6, v33;
	v18 =	vadd.f32 v38, v18;
	v45 =	vld.idx.msk [tilespmem:v34+s5+$0x0], $0xffff;
	[tilespmem:v34+s20+$0x0] =	vst.idx.msk $0xffff, v22  }
0x56: {  	v36 =	vshll.u32 v35, $0x7;
	v34 =	vshll.u32 v35, $0x8;
	v47 =	vld.idx.msk [tilespmem:v39+s5+$0x0], $0xffff;
	[tilespmem:v39+s20+$0x0] =	vst.idx.msk $0xffff, v25;
	v39 =	vor.u32 v7, v33  }
0x57: {  	v49 =	vor.u32 v8, v33;
	v19 =	vadd.f32 v40, v19;
	v48 =	vld.idx.msk [tilespmem:v42+s5+$0x0], $0xffff;
	[tilespmem:v42+s20+$0x0] =	vst.idx.msk $0xffff, v26  }
0x58: {  	v50 =	vor.u32 v9, v33;
	v20 =	vadd.f32 v41, v20;
	v35 =	vld.idx.msk [tilespmem:v43+s5+$0x0], $0xffff;
	[tilespmem:v43+s20+$0x0] =	vst.idx.msk $0xffff, v31  }
.Ltmp2:
0x59: {  	v37 =	vand.u32 $0x380, v36;
	v34 =	vand.u32 $0x1800, v34;
	v41 =	vor.u32 v10, v33;
	v36 =	vld.idx.msk [tilespmem:v44+s5+$0x0], $0xffff;
	[tilespmem:v44+s20+$0x0] =	vst.idx.msk $0xffff, v30;
	(pc) =	sbr.rel @p1 .LBB2_3-.Ltmp2, $4  }
0x5a: {  	v34 =	vor.u32 v37, v34;
	v42 =	vor.u32 v11, v33;
	v37 =	vld.idx.msk [tilespmem:v46+s5+$0x0], $0xffff;
	[tilespmem:v46+s20+$0x0] =	vst.idx.msk $0xffff, v29  }
0x5b: {  	v43 =	vor.u32 v12, v33;
	v22 =	vadd.f32 v45, v22;
	v38 =	vld.idx.msk [tilespmem:v39+s5+$0x0], $0xffff;
	[tilespmem:v39+s20+$0x0] =	vst.idx.msk $0xffff, v28  }
0x5c: {  	v44 =	vor.u32 v13, v33;
	v25 =	vadd.f32 v47, v25;
	v39 =	vld.idx.msk [tilespmem:v49+s5+$0x0], $0xffff;
	[tilespmem:v49+s20+$0x0] =	vst.idx.msk $0xffff, v27  }
0x5d: {  	s8 =	sadd.s32 $0x1, s8;
	v45 =	vor.u32 v14, v33;
	v26 =	vadd.f32 v48, v26;
	v40 =	vld.idx.msk [tilespmem:v50+s5+$0x0], $0xffff;
	[tilespmem:v50+s20+$0x0] =	vst.idx.msk $0xffff, v24  }
0x5e: {  	_ =	sdelay $0x3  }
0x5f: {  	v46 =	vld.idx.msk [tilespmem:v41+s5+$0x0], $0xffff;
	[tilespmem:v41+s20+$0x0] =	vst.idx.msk $0xffff, v23;
	v33 =	vor.u32 v15, v33  }
0x60: {  	v47 =	vor.u32 v0, v34;
	v41 =	vld.idx.msk [tilespmem:v42+s5+$0x0], $0xffff;
	[tilespmem:v42+s20+$0x0] =	vst.idx.msk $0xffff, v21  }
0x61: {  	v16 =	vadd.f32 v32, v16;
	v59 =	vor.u32 v1, v34;
	v42 =	vld.idx.msk [tilespmem:v43+s5+$0x0], $0xffff;
	[tilespmem:v43+s20+$0x0] =	vst.idx.msk $0xffff, v17  }
0x62: {  	v48 =	vor.u32 v2, v34;
	v43 =	vld.idx.msk [tilespmem:v44+s5+$0x0], $0xffff;
	[tilespmem:v44+s20+$0x0] =	vst.idx.msk $0xffff, v18  }
0x63: {  	v49 =	vor.u32 v3, v34;
	v63 =	vld.idx.msk [tilespmem:v45+s5+$0x0], $0xffff;
	[tilespmem:v45+s20+$0x0] =	vst.idx.msk $0xffff, v16  }
0x64: {  	v50 =	vor.u32 v4, v34;
	v45 =	vld.idx.msk [tilespmem:v33+s5+$0x0], $0xffff;
	[tilespmem:v33+s20+$0x0] =	vst.idx.msk $0xffff, v19  }
0x65: {  	v51 =	vor.u32 v5, v34;
	v33 =	vld.idx.msk [tilespmem:v47+s5+$0x0], $0xffff;
	[tilespmem:v47+s20+$0x0] =	vst.idx.msk $0xffff, v20  }
0x66: {  	v35 =	vadd.f32 v35, v31;
	v31 =	vor.u32 v6, v34;
	v47 =	vld.idx.msk [tilespmem:v59+s5+$0x0], $0xffff;
	[tilespmem:v59+s20+$0x0] =	vst.idx.msk $0xffff, v22  }
0x67: {  	v36 =	vadd.f32 v36, v30;
	v30 =	vor.u32 v7, v34;
	v44 =	vld.idx.msk [tilespmem:v48+s5+$0x0], $0xffff;
	[tilespmem:v48+s20+$0x0] =	vst.idx.msk $0xffff, v25  }
0x68: {  	v37 =	vadd.f32 v37, v29;
	v29 =	vor.u32 v8, v34;
	v48 =	vld.idx.msk [tilespmem:v49+s5+$0x0], $0xffff;
	[tilespmem:v49+s20+$0x0] =	vst.idx.msk $0xffff, v26  }
0x69: {  	v38 =	vadd.f32 v38, v28;
	v28 =	vor.u32 v9, v34;
	v49 =	vld.idx.msk [tilespmem:v50+s5+$0x0], $0xffff;
	[tilespmem:v50+s20+$0x0] =	vst.idx.msk $0xffff, v35  }
0x6a: {  	v39 =	vadd.f32 v39, v27;
	v27 =	vor.u32 v10, v34;
	v50 =	vld.idx.msk [tilespmem:v51+s5+$0x0], $0xffff;
	[tilespmem:v51+s20+$0x0] =	vst.idx.msk $0xffff, v36  }
0x6b: {  	v40 =	vadd.f32 v40, v24;
	v24 =	vor.u32 v11, v34;
	v51 =	vld.idx.msk [tilespmem:v31+s5+$0x0], $0xffff;
	[tilespmem:v31+s20+$0x0] =	vst.idx.msk $0xffff, v37  }
0x6c: {  	v46 =	vadd.f32 v46, v23;
	v23 =	vor.u32 v12, v34;
	v52 =	vld.idx.msk [tilespmem:v30+s5+$0x0], $0xffff;
	[tilespmem:v30+s20+$0x0] =	vst.idx.msk $0xffff, v38  }
0x6d: {  	v41 =	vadd.f32 v41, v21;
	v21 =	vor.u32 v13, v34;
	v53 =	vld.idx.msk [tilespmem:v29+s5+$0x0], $0xffff;
	[tilespmem:v29+s20+$0x0] =	vst.idx.msk $0xffff, v39  }
0x6e: {  	v42 =	vadd.f32 v42, v17;
	v17 =	vor.u32 v14, v34;
	v54 =	vld.idx.msk [tilespmem:v28+s5+$0x0], $0xffff;
	[tilespmem:v28+s20+$0x0] =	vst.idx.msk $0xffff, v40  }
0x6f: {  	v60 =	vor.u32 v15, v34;
	v55 =	vld.idx.msk [tilespmem:v27+s5+$0x0], $0xffff;
	[tilespmem:v27+s20+$0x0] =	vst.idx.msk $0xffff, v46  }
0x70: {  	v18 =	vadd.f32 v43, v18;
	v56 =	vld.idx.msk [tilespmem:v24+s5+$0x0], $0xffff;
	[tilespmem:v24+s20+$0x0] =	vst.idx.msk $0xffff, v41  }
0x71: {  	v16 =	vadd.f32 v63, v16;
	v19 =	vadd.f32 v45, v19;
	v57 =	vld.idx.msk [tilespmem:v23+s5+$0x0], $0xffff;
	[tilespmem:v23+s20+$0x0] =	vst.idx.msk $0xffff, v42  }
0x72: {  	v31 =	vadd.f32 v33, v20;
	v30 =	vadd.f32 v47, v22;
	v61 =	vld.idx.msk [tilespmem:v21+s5+$0x0], $0xffff;
	[tilespmem:v21+s20+$0x0] =	vst.idx.msk $0xffff, v18  }
0x73: {  	v29 =	vadd.f32 v44, v25;
	v28 =	vadd.f32 v48, v26;
	v62 =	vld.idx.msk [tilespmem:v17+s5+$0x0], $0xffff;
	[tilespmem:v17+s20+$0x0] =	vst.idx.msk $0xffff, v16  }
0x74: {  	p1 =	sne.s32 s0, $0x1F;
	v27 =	vadd.f32 v49, v35;
	v24 =	vadd.f32 v50, v36;
	v63 =	vld.idx.msk [tilespmem:v60+s5+$0x0], $0xffff  }
.Ltmp3:
0x75: {  	v26 =	vadd.f32 v51, v37;
	v21 =	vadd.f32 v52, v38;
	(pc) =	sbr.rel @p1 .LBB2_6-.Ltmp3, $4  }
0x76: {  	s8 =	sor.u32 s7, s4;
	v25 =	vadd.f32 v53, v39;
	v23 =	vadd.f32 v54, v40  }
0x77: {  	s8 =	sshrl.u32 s8, $0x3;
	v17 =	vadd.f32 v55, v46;
	v20 =	vadd.f32 v56, v41  }
0x78: {  	s9 =	sadd.s32 s3, s8;
	[tilespmem:v60+s20+$0x0] =	vst.idx.msk $0xffff, v19;
	v22 =	vadd.f32 v57, v42;
	v18 =	vadd.f32 v61, v18  }
0x79: {  	[hbm4b:s9+s15] =	stream.strided.scatter [tilespmem:s20], [sflag:$0x5], $0x2000, s16, s15, $0x38;
	v16 =	vadd.f32 v62, v16;
	v19 =	vadd.f32 v63, v19;
	[tilespmem:$0x10000] =	vst v63  }
.Ltmp4:
0x7a: {  	(pc) =	sbr.rel .LBB2_7-.Ltmp4, $4  }
0x7b: {  	_ = 	snop  }
0x7c: {  	_ =	swait.ge [sflag:s21], $0x2000  }
0x7d: {  	[sflag:s21] =	ssyncset.done $0x0  }
0x7e: {  	[sflag:s21] =	ssyncadd.s32 $0xFFFFE000  }
.LBB2_6:
0x7f: {  	s9 =	sadd.s32 s7, s10  }
0x80: {  	s9 =	sshrl.u32 s9, $0x3  }
.Ltmp5:
0x81: {  	s9 =	sadd.s32 s2, s9;
	(pc) =	sbr.rel @p0 .LBB2_8-.Ltmp5, $4  }
0x82: {  	[tilespmem:s5], [sflag:$0x1] =	stream.strided.gather [hbm4b:s9+s15], $0x2000, s16, s15, $0x38;
	[tilespmem:$0x10000] =	vst v63  }
0x83: {  	_ =	swait.ge [sflag:s21], $0x2000  }
0x84: {  	[sflag:s21] =	ssyncset.done $0x0  }
0x85: {  	[sflag:s21] =	ssyncadd.s32 $0xFFFFE000  }
.LBB2_7:
0x86: {  	_ =	swait.ge [sflag:s22], $0x2000  }
0x87: {  	[sflag:s22] =	ssyncset.done $0x0  }
0x88: {  	[sflag:s22] =	ssyncadd.s32 $0xFFFFE000  }
.LBB2_8:
0x89: {  	s9 =	simm.s32 $0x0  }
0x8a: {  	v32 =	vmov s9  }
0x8b: {  	v33 =	vshll.u32 v32, $0x8;
	v32 =	vshll.u32 v32, $0x7  }
0x8c: {  	v33 =	vand.u32 $0x1800, v33;
	v32 =	vand.u32 $0x380, v32  }
0x8d: {  	v32 =	vor.u32 v32, v33  }
0x8e: {  	v33 =	vor.u32 v0, v32  }
0x8f: {  	v34 =	vor.u32 v1, v32  }
0x90: {  	v35 =	vor.u32 v2, v32  }
0x91: {  	v37 =	vor.u32 v3, v32  }
0x92: {  	v56 =	vor.u32 v4, v32  }
0x93: {  	v39 =	vor.u32 v5, v32;
	v36 =	vld.idx.msk [tilespmem:v33+s17+$0x0], $0xffff;
	[tilespmem:v33+s23+$0x0] =	vst.idx.msk $0xffff, v31  }
0x94: {  	v40 =	vor.u32 v6, v32;
	v38 =	vld.idx.msk [tilespmem:v34+s17+$0x0], $0xffff;
	[tilespmem:v34+s23+$0x0] =	vst.idx.msk $0xffff, v30  }
0x95: {  	v41 =	vor.u32 v7, v32;
	v34 =	vld.idx.msk [tilespmem:v35+s17+$0x0], $0xffff;
	[tilespmem:v35+s23+$0x0] =	vst.idx.msk $0xffff, v29  }
0x96: {  	v57 =	vor.u32 v8, v32;
	v35 =	vld.idx.msk [tilespmem:v37+s17+$0x0], $0xffff;
	[tilespmem:v37+s23+$0x0] =	vst.idx.msk $0xffff, v28  }
0x97: {  	v43 =	vor.u32 v9, v32;
	v37 =	vld.idx.msk [tilespmem:v56+s17+$0x0], $0xffff;
	[tilespmem:v56+s23+$0x0] =	vst.idx.msk $0xffff, v27  }
0x98: {  	v44 =	vor.u32 v10, v32;
	v42 =	vld.idx.msk [tilespmem:v39+s17+$0x0], $0xffff;
	[tilespmem:v39+s23+$0x0] =	vst.idx.msk $0xffff, v24  }
0x99: {  	v45 =	vor.u32 v11, v32;
	v39 =	vld.idx.msk [tilespmem:v40+s17+$0x0], $0xffff;
	[tilespmem:v40+s23+$0x0] =	vst.idx.msk $0xffff, v26  }
0x9a: {  	s9 =	simm.s32 $0x1;
	v40 =	vld.idx.msk [tilespmem:v41+s17+$0x0], $0xffff;
	[tilespmem:v41+s23+$0x0] =	vst.idx.msk $0xffff, v21  }
0x9b: {  	v48 =	vmov s9;
	v58 =	vor.u32 v12, v32;
	v41 =	vld.idx.msk [tilespmem:v57+s17+$0x0], $0xffff;
	[tilespmem:v57+s23+$0x0] =	vst.idx.msk $0xffff, v25  }
0x9c: {  	v59 =	vshll.u32 v48, $0x8;
	v48 =	vshll.u32 v48, $0x7;
	v47 =	vor.u32 v13, v32;
	v46 =	vld.idx.msk [tilespmem:v43+s17+$0x0], $0xffff;
	[tilespmem:v43+s23+$0x0] =	vst.idx.msk $0xffff, v23  }
0x9d: {  	v49 =	vor.u32 v14, v32;
	v51 =	vor.u32 v15, v32;
	v43 =	vld.idx.msk [tilespmem:v44+s17+$0x0], $0xffff;
	[tilespmem:v44+s23+$0x0] =	vst.idx.msk $0xffff, v17  }
0x9e: {  	v48 =	vand.u32 $0x380, v48;
	v52 =	vadd.f32 v36, v31;
	v44 =	vld.idx.msk [tilespmem:v45+s17+$0x0], $0xffff;
	[tilespmem:v45+s23+$0x0] =	vst.idx.msk $0xffff, v20;
	v45 =	vand.u32 $0x1800, v59  }
0x9f: {  	v53 =	vadd.f32 v38, v30;
	v54 =	vadd.f32 v34, v29;
	v33 =	vor.u32 v48, v45  }
0xa0: {  	v55 =	vadd.f32 v35, v28;
	v50 =	vld.idx.msk [tilespmem:v58+s17+$0x0], $0xffff;
	[tilespmem:v58+s23+$0x0] =	vst.idx.msk $0xffff, v22;
	v48 =	vor.u32 v0, v33  }
0xa1: {  	v29 =	vadd.f32 v39, v26;
	v45 =	vld.idx.msk [tilespmem:v47+s17+$0x0], $0xffff;
	[tilespmem:v47+s23+$0x0] =	vst.idx.msk $0xffff, v18;
	v60 =	vor.u32 v1, v33  }
0xa2: {  	v28 =	vadd.f32 v40, v21;
	v31 =	vor.u32 v2, v33;
	v32 =	vld.idx.msk [tilespmem:v49+s17+$0x0], $0xffff;
	[tilespmem:v49+s23+$0x0] =	vst.idx.msk $0xffff, v16  }
0xa3: {  	v30 =	vor.u32 v3, v33;
	v61 =	vor.u32 v4, v33;
	v62 =	vor.u32 v5, v33;
	v49 =	vld.idx.msk [tilespmem:v51+s17+$0x0], $0xffff  }
0xa4: {  	v57 =	vor.u32 v6, v33;
	v26 =	vor.u32 v7, v33;
	[tilespmem:v51+s23+$0x0] =	vst.idx.msk $0xffff, v19  }
0xa5: {  	v63 =	vor.u32 v9, v33;
	v21 =	vadd.f32 v44, v20;
	v51 =	vld.idx.msk [tilespmem:v48+s17+$0x0], $0xffff;
	[tilespmem:v48+s23+$0x0] =	vst.idx.msk $0xffff, v52  }
0xa6: {  	v44 =	vor.u32 v13, v33;
	v18 =	vadd.f32 v45, v18;
	v48 =	vld.idx.msk [tilespmem:v60+s17+$0x0], $0xffff;
	[tilespmem:v60+s23+$0x0] =	vst.idx.msk $0xffff, v53  }
0xa7: {  	v45 =	vor.u32 v14, v33;
	v47 =	vld.idx.msk [tilespmem:v31+s17+$0x0], $0xffff;
	[tilespmem:v31+s23+$0x0] =	vst.idx.msk $0xffff, v54;
	v31 =	vadd.f32 v37, v27  }
0xa8: {  	v27 =	vadd.f32 v41, v25;
	v25 =	vor.u32 v8, v33;
	v19 =	vadd.f32 v49, v19  }
0xa9: {  	s9 =	simm.s32 $0x2;
	v41 =	vor.u32 v10, v33;
	v56 =	vld.idx.msk [tilespmem:v30+s17+$0x0], $0xffff;
	[tilespmem:v30+s23+$0x0] =	vst.idx.msk $0xffff, v55;
	v30 =	vadd.f32 v42, v24  }
0xaa: {  	v20 =	vmov s9;
	v24 =	vadd.f32 v46, v23;
	v23 =	vadd.f32 v43, v17;
	v35 =	vld.idx.msk [tilespmem:v61+s17+$0x0], $0xffff;
	[tilespmem:v61+s23+$0x0] =	vst.idx.msk $0xffff, v31  }
0xab: {  	v17 =	vadd.f32 v50, v22;
	v22 =	vshll.u32 v20, $0x8;
	v20 =	vshll.u32 v20, $0x7;
	v36 =	vld.idx.msk [tilespmem:v62+s17+$0x0], $0xffff;
	[tilespmem:v62+s23+$0x0] =	vst.idx.msk $0xffff, v30  }
0xac: {  	v42 =	vor.u32 v11, v33;
	v43 =	vor.u32 v12, v33;
	v37 =	vld.idx.msk [tilespmem:v57+s17+$0x0], $0xffff;
	[tilespmem:v57+s23+$0x0] =	vst.idx.msk $0xffff, v29  }
0xad: {  	v22 =	vand.u32 $0x1800, v22;
	v38 =	vld.idx.msk [tilespmem:v26+s17+$0x0], $0xffff;
	[tilespmem:v26+s23+$0x0] =	vst.idx.msk $0xffff, v28;
	v26 =	vand.u32 $0x380, v20;
	v20 =	vadd.f32 v51, v52  }
0xae: {  	v34 =	vor.u32 v26, v22;
	v39 =	vld.idx.msk [tilespmem:v25+s17+$0x0], $0xffff;
	v22 =	vadd.f32 v48, v53;
	[tilespmem:v25+s23+$0x0] =	vst.idx.msk $0xffff, v27  }
0xaf: {  	s9 =	simm.s32 $0x3;
	v25 =	vadd.f32 v47, v54;
	v26 =	vadd.f32 v56, v55;
	v40 =	vld.idx.msk [tilespmem:v63+s17+$0x0], $0xffff;
	[tilespmem:v63+s23+$0x0] =	vst.idx.msk $0xffff, v24  }
.LBB2_9:
0xb0: {  	p2 =	sne.s32 s9, $0x1F;
	v31 =	vadd.f32 v35, v31;
	v35 =	vld.idx.msk [tilespmem:v41+s17+$0x0], $0xffff;
	[tilespmem:v41+s23+$0x0] =	vst.idx.msk $0xffff, v23;
	v41 =	vor.u32 v15, v33  }
0xb1: {  	v46 =	vor.u32 v0, v34;
	v30 =	vadd.f32 v36, v30;
	v36 =	vld.idx.msk [tilespmem:v42+s17+$0x0], $0xffff;
	[tilespmem:v42+s23+$0x0] =	vst.idx.msk $0xffff, v21  }
0xb2: {  	v16 =	vadd.f32 v32, v16;
	v29 =	vadd.f32 v37, v29;
	v37 =	vld.idx.msk [tilespmem:v43+s17+$0x0], $0xffff;
	[tilespmem:v43+s23+$0x0] =	vst.idx.msk $0xffff, v17  }
0xb3: {  	v33 =	vmov v34;
	v28 =	vadd.f32 v38, v28;
	v38 =	vld.idx.msk [tilespmem:v44+s17+$0x0], $0xffff;
	[tilespmem:v44+s23+$0x0] =	vst.idx.msk $0xffff, v18  }
0xb4: {  	v34 =	vor.u32 v1, v33;
	v27 =	vadd.f32 v39, v27;
	v32 =	vld.idx.msk [tilespmem:v45+s17+$0x0], $0xffff;
	[tilespmem:v45+s23+$0x0] =	vst.idx.msk $0xffff, v16  }
0xb5: {  	v39 =	vor.u32 v2, v33;
	v24 =	vadd.f32 v40, v24;
	v40 =	vld.idx.msk [tilespmem:v41+s17+$0x0], $0xffff;
	[tilespmem:v41+s23+$0x0] =	vst.idx.msk $0xffff, v19  }
0xb6: {  	v42 =	vor.u32 v3, v33;
	v23 =	vadd.f32 v35, v23;
	v41 =	vld.idx.msk [tilespmem:v46+s17+$0x0], $0xffff  }
0xb7: {  	v43 =	vor.u32 v4, v33;
	v21 =	vadd.f32 v36, v21  }
0xb8: {  	v44 =	vor.u32 v5, v33;
	v17 =	vadd.f32 v37, v17;
	[tilespmem:v46+s23+$0x0] =	vst.idx.msk $0xffff, v20  }
0xb9: {  	v35 =	vmov s9;
	v46 =	vor.u32 v6, v33;
	v18 =	vadd.f32 v38, v18;
	v45 =	vld.idx.msk [tilespmem:v34+s17+$0x0], $0xffff;
	[tilespmem:v34+s23+$0x0] =	vst.idx.msk $0xffff, v22  }
0xba: {  	v36 =	vshll.u32 v35, $0x7;
	v34 =	vshll.u32 v35, $0x8;
	v47 =	vld.idx.msk [tilespmem:v39+s17+$0x0], $0xffff;
	[tilespmem:v39+s23+$0x0] =	vst.idx.msk $0xffff, v25;
	v39 =	vor.u32 v7, v33  }
0xbb: {  	v49 =	vor.u32 v8, v33;
	v19 =	vadd.f32 v40, v19;
	v48 =	vld.idx.msk [tilespmem:v42+s17+$0x0], $0xffff;
	[tilespmem:v42+s23+$0x0] =	vst.idx.msk $0xffff, v26  }
0xbc: {  	v50 =	vor.u32 v9, v33;
	v20 =	vadd.f32 v41, v20;
	v35 =	vld.idx.msk [tilespmem:v43+s17+$0x0], $0xffff;
	[tilespmem:v43+s23+$0x0] =	vst.idx.msk $0xffff, v31  }
.Ltmp6:
0xbd: {  	v37 =	vand.u32 $0x380, v36;
	v34 =	vand.u32 $0x1800, v34;
	v41 =	vor.u32 v10, v33;
	v36 =	vld.idx.msk [tilespmem:v44+s17+$0x0], $0xffff;
	[tilespmem:v44+s23+$0x0] =	vst.idx.msk $0xffff, v30;
	(pc) =	sbr.rel @p2 .LBB2_9-.Ltmp6, $4  }
0xbe: {  	v34 =	vor.u32 v37, v34;
	v42 =	vor.u32 v11, v33;
	v37 =	vld.idx.msk [tilespmem:v46+s17+$0x0], $0xffff;
	[tilespmem:v46+s23+$0x0] =	vst.idx.msk $0xffff, v29  }
0xbf: {  	v43 =	vor.u32 v12, v33;
	v22 =	vadd.f32 v45, v22;
	v38 =	vld.idx.msk [tilespmem:v39+s17+$0x0], $0xffff;
	[tilespmem:v39+s23+$0x0] =	vst.idx.msk $0xffff, v28  }
0xc0: {  	v44 =	vor.u32 v13, v33;
	v25 =	vadd.f32 v47, v25;
	v39 =	vld.idx.msk [tilespmem:v49+s17+$0x0], $0xffff;
	[tilespmem:v49+s23+$0x0] =	vst.idx.msk $0xffff, v27  }
0xc1: {  	s9 =	sadd.s32 $0x1, s9;
	v45 =	vor.u32 v14, v33;
	v26 =	vadd.f32 v48, v26;
	v40 =	vld.idx.msk [tilespmem:v50+s17+$0x0], $0xffff;
	[tilespmem:v50+s23+$0x0] =	vst.idx.msk $0xffff, v24  }
0xc2: {  	_ =	sdelay $0x3  }
0xc3: {  	v46 =	vld.idx.msk [tilespmem:v41+s17+$0x0], $0xffff;
	[tilespmem:v41+s23+$0x0] =	vst.idx.msk $0xffff, v23;
	v33 =	vor.u32 v15, v33  }
0xc4: {  	v47 =	vor.u32 v0, v34;
	v41 =	vld.idx.msk [tilespmem:v42+s17+$0x0], $0xffff;
	[tilespmem:v42+s23+$0x0] =	vst.idx.msk $0xffff, v21  }
0xc5: {  	v16 =	vadd.f32 v32, v16;
	v59 =	vor.u32 v1, v34;
	v42 =	vld.idx.msk [tilespmem:v43+s17+$0x0], $0xffff;
	[tilespmem:v43+s23+$0x0] =	vst.idx.msk $0xffff, v17  }
0xc6: {  	v48 =	vor.u32 v2, v34;
	v43 =	vld.idx.msk [tilespmem:v44+s17+$0x0], $0xffff;
	[tilespmem:v44+s23+$0x0] =	vst.idx.msk $0xffff, v18  }
0xc7: {  	v49 =	vor.u32 v3, v34;
	v63 =	vld.idx.msk [tilespmem:v45+s17+$0x0], $0xffff;
	[tilespmem:v45+s23+$0x0] =	vst.idx.msk $0xffff, v16  }
0xc8: {  	v50 =	vor.u32 v4, v34;
	v45 =	vld.idx.msk [tilespmem:v33+s17+$0x0], $0xffff;
	[tilespmem:v33+s23+$0x0] =	vst.idx.msk $0xffff, v19  }
0xc9: {  	v51 =	vor.u32 v5, v34;
	v33 =	vld.idx.msk [tilespmem:v47+s17+$0x0], $0xffff;
	[tilespmem:v47+s23+$0x0] =	vst.idx.msk $0xffff, v20  }
0xca: {  	v35 =	vadd.f32 v35, v31;
	v31 =	vor.u32 v6, v34;
	v47 =	vld.idx.msk [tilespmem:v59+s17+$0x0], $0xffff;
	[tilespmem:v59+s23+$0x0] =	vst.idx.msk $0xffff, v22  }
0xcb: {  	v36 =	vadd.f32 v36, v30;
	v30 =	vor.u32 v7, v34;
	v44 =	vld.idx.msk [tilespmem:v48+s17+$0x0], $0xffff;
	[tilespmem:v48+s23+$0x0] =	vst.idx.msk $0xffff, v25  }
0xcc: {  	v37 =	vadd.f32 v37, v29;
	v29 =	vor.u32 v8, v34;
	v48 =	vld.idx.msk [tilespmem:v49+s17+$0x0], $0xffff;
	[tilespmem:v49+s23+$0x0] =	vst.idx.msk $0xffff, v26  }
0xcd: {  	v38 =	vadd.f32 v38, v28;
	v28 =	vor.u32 v9, v34;
	v49 =	vld.idx.msk [tilespmem:v50+s17+$0x0], $0xffff;
	[tilespmem:v50+s23+$0x0] =	vst.idx.msk $0xffff, v35  }
0xce: {  	v39 =	vadd.f32 v39, v27;
	v27 =	vor.u32 v10, v34;
	v50 =	vld.idx.msk [tilespmem:v51+s17+$0x0], $0xffff;
	[tilespmem:v51+s23+$0x0] =	vst.idx.msk $0xffff, v36  }
0xcf: {  	v40 =	vadd.f32 v40, v24;
	v24 =	vor.u32 v11, v34;
	v51 =	vld.idx.msk [tilespmem:v31+s17+$0x0], $0xffff;
	[tilespmem:v31+s23+$0x0] =	vst.idx.msk $0xffff, v37  }
0xd0: {  	v46 =	vadd.f32 v46, v23;
	v23 =	vor.u32 v12, v34;
	v52 =	vld.idx.msk [tilespmem:v30+s17+$0x0], $0xffff;
	[tilespmem:v30+s23+$0x0] =	vst.idx.msk $0xffff, v38  }
0xd1: {  	v41 =	vadd.f32 v41, v21;
	v21 =	vor.u32 v13, v34;
	v53 =	vld.idx.msk [tilespmem:v29+s17+$0x0], $0xffff;
	[tilespmem:v29+s23+$0x0] =	vst.idx.msk $0xffff, v39  }
0xd2: {  	v42 =	vadd.f32 v42, v17;
	v17 =	vor.u32 v14, v34;
	v54 =	vld.idx.msk [tilespmem:v28+s17+$0x0], $0xffff;
	[tilespmem:v28+s23+$0x0] =	vst.idx.msk $0xffff, v40  }
0xd3: {  	v60 =	vor.u32 v15, v34;
	v55 =	vld.idx.msk [tilespmem:v27+s17+$0x0], $0xffff;
	[tilespmem:v27+s23+$0x0] =	vst.idx.msk $0xffff, v46  }
0xd4: {  	v18 =	vadd.f32 v43, v18;
	v56 =	vld.idx.msk [tilespmem:v24+s17+$0x0], $0xffff;
	[tilespmem:v24+s23+$0x0] =	vst.idx.msk $0xffff, v41  }
0xd5: {  	v16 =	vadd.f32 v63, v16;
	v19 =	vadd.f32 v45, v19;
	v57 =	vld.idx.msk [tilespmem:v23+s17+$0x0], $0xffff;
	[tilespmem:v23+s23+$0x0] =	vst.idx.msk $0xffff, v42  }
0xd6: {  	v31 =	vadd.f32 v33, v20;
	v30 =	vadd.f32 v47, v22;
	v61 =	vld.idx.msk [tilespmem:v21+s17+$0x0], $0xffff;
	[tilespmem:v21+s23+$0x0] =	vst.idx.msk $0xffff, v18  }
0xd7: {  	v29 =	vadd.f32 v44, v25;
	v28 =	vadd.f32 v48, v26;
	v62 =	vld.idx.msk [tilespmem:v17+s17+$0x0], $0xffff;
	[tilespmem:v17+s23+$0x0] =	vst.idx.msk $0xffff, v16  }
0xd8: {  	v27 =	vadd.f32 v49, v35;
	v25 =	vadd.f32 v50, v36;
	v63 =	vld.idx.msk [tilespmem:v60+s17+$0x0], $0xffff  }
.Ltmp7:
0xd9: {  	v26 =	vadd.f32 v51, v37;
	v21 =	vadd.f32 v52, v38;
	(pc) =	sbr.rel @p1 .LBB2_12-.Ltmp7, $4  }
0xda: {  	v24 =	vadd.f32 v53, v39;
	v23 =	vadd.f32 v54, v40  }
0xdb: {  	s9 =	sor.u32 $0x2000, s8;
	v17 =	vadd.f32 v55, v46;
	v20 =	vadd.f32 v56, v41  }
0xdc: {  	s9 =	sadd.s32 s3, s9;
	[tilespmem:v60+s23+$0x0] =	vst.idx.msk $0xffff, v19;
	v22 =	vadd.f32 v57, v42;
	v18 =	vadd.f32 v61, v18  }
0xdd: {  	[hbm4b:s9+s15] =	stream.strided.scatter [tilespmem:s23], [sflag:$0x6], $0x2000, s16, s15, $0x38;
	v16 =	vadd.f32 v62, v16;
	v19 =	vadd.f32 v63, v19;
	[tilespmem:$0x10000] =	vst v63  }
.Ltmp8:
0xde: {  	(pc) =	sbr.rel .LBB2_13-.Ltmp8, $4  }
0xdf: {  	_ = 	snop  }
0xe0: {  	_ =	swait.ge [sflag:s24], $0x2000  }
0xe1: {  	[sflag:s24] =	ssyncset.done $0x0  }
0xe2: {  	[sflag:s24] =	ssyncadd.s32 $0xFFFFE000  }
.LBB2_12:
0xe3: {  	s9 =	sadd.s32 s7, s11  }
0xe4: {  	s9 =	sshrl.u32 s9, $0x3  }
.Ltmp9:
0xe5: {  	s9 =	sadd.s32 s2, s9;
	(pc) =	sbr.rel @p0 .LBB2_14-.Ltmp9, $4  }
0xe6: {  	[tilespmem:s17], [sflag:$0x2] =	stream.strided.gather [hbm4b:s9+s15], $0x2000, s16, s15, $0x38;
	[tilespmem:$0x10000] =	vst v63  }
0xe7: {  	_ =	swait.ge [sflag:s24], $0x2000  }
0xe8: {  	[sflag:s24] =	ssyncset.done $0x0  }
0xe9: {  	[sflag:s24] =	ssyncadd.s32 $0xFFFFE000  }
.LBB2_13:
0xea: {  	_ =	swait.ge [sflag:s25], $0x2000  }
0xeb: {  	[sflag:s25] =	ssyncset.done $0x0  }
0xec: {  	[sflag:s25] =	ssyncadd.s32 $0xFFFFE000  }
.LBB2_14:
0xed: {  	s9 =	simm.s32 $0x0  }
0xee: {  	v32 =	vmov s9  }
0xef: {  	v33 =	vshll.u32 v32, $0x8;
	v32 =	vshll.u32 v32, $0x7  }
0xf0: {  	v33 =	vand.u32 $0x1800, v33;
	v32 =	vand.u32 $0x380, v32  }
0xf1: {  	v32 =	vor.u32 v32, v33  }
0xf2: {  	v33 =	vor.u32 v0, v32  }
0xf3: {  	v34 =	vor.u32 v1, v32  }
0xf4: {  	v35 =	vor.u32 v2, v32  }
0xf5: {  	v37 =	vor.u32 v3, v32  }
0xf6: {  	v56 =	vor.u32 v4, v32  }
0xf7: {  	v39 =	vor.u32 v5, v32;
	v36 =	vld.idx.msk [tilespmem:v33+s16+$0x0], $0xffff;
	[tilespmem:v33+s26+$0x0] =	vst.idx.msk $0xffff, v31  }
0xf8: {  	v40 =	vor.u32 v6, v32;
	v38 =	vld.idx.msk [tilespmem:v34+s16+$0x0], $0xffff;
	[tilespmem:v34+s26+$0x0] =	vst.idx.msk $0xffff, v30  }
0xf9: {  	v41 =	vor.u32 v7, v32;
	v34 =	vld.idx.msk [tilespmem:v35+s16+$0x0], $0xffff;
	[tilespmem:v35+s26+$0x0] =	vst.idx.msk $0xffff, v29  }
0xfa: {  	v57 =	vor.u32 v8, v32;
	v35 =	vld.idx.msk [tilespmem:v37+s16+$0x0], $0xffff;
	[tilespmem:v37+s26+$0x0] =	vst.idx.msk $0xffff, v28  }
0xfb: {  	v43 =	vor.u32 v9, v32;
	v37 =	vld.idx.msk [tilespmem:v56+s16+$0x0], $0xffff;
	[tilespmem:v56+s26+$0x0] =	vst.idx.msk $0xffff, v27  }
0xfc: {  	v44 =	vor.u32 v10, v32;
	v42 =	vld.idx.msk [tilespmem:v39+s16+$0x0], $0xffff;
	[tilespmem:v39+s26+$0x0] =	vst.idx.msk $0xffff, v25  }
0xfd: {  	v45 =	vor.u32 v11, v32;
	v39 =	vld.idx.msk [tilespmem:v40+s16+$0x0], $0xffff;
	[tilespmem:v40+s26+$0x0] =	vst.idx.msk $0xffff, v26  }
0xfe: {  	s9 =	simm.s32 $0x1;
	v40 =	vld.idx.msk [tilespmem:v41+s16+$0x0], $0xffff;
	[tilespmem:v41+s26+$0x0] =	vst.idx.msk $0xffff, v21  }
0xff: {  	v48 =	vmov s9;
	v58 =	vor.u32 v12, v32;
	v41 =	vld.idx.msk [tilespmem:v57+s16+$0x0], $0xffff;
	[tilespmem:v57+s26+$0x0] =	vst.idx.msk $0xffff, v24  }
0x100: {  	v59 =	vshll.u32 v48, $0x8;
	v48 =	vshll.u32 v48, $0x7;
	v47 =	vor.u32 v13, v32;
	v46 =	vld.idx.msk [tilespmem:v43+s16+$0x0], $0xffff;
	[tilespmem:v43+s26+$0x0] =	vst.idx.msk $0xffff, v23  }
0x101: {  	v49 =	vor.u32 v14, v32;
	v51 =	vor.u32 v15, v32;
	v43 =	vld.idx.msk [tilespmem:v44+s16+$0x0], $0xffff;
	[tilespmem:v44+s26+$0x0] =	vst.idx.msk $0xffff, v17  }
0x102: {  	v48 =	vand.u32 $0x380, v48;
	v52 =	vadd.f32 v36, v31;
	v44 =	vld.idx.msk [tilespmem:v45+s16+$0x0], $0xffff;
	[tilespmem:v45+s26+$0x0] =	vst.idx.msk $0xffff, v20;
	v45 =	vand.u32 $0x1800, v59  }
0x103: {  	v53 =	vadd.f32 v38, v30;
	v54 =	vadd.f32 v34, v29;
	v33 =	vor.u32 v48, v45  }
0x104: {  	v55 =	vadd.f32 v35, v28;
	v50 =	vld.idx.msk [tilespmem:v58+s16+$0x0], $0xffff;
	[tilespmem:v58+s26+$0x0] =	vst.idx.msk $0xffff, v22;
	v48 =	vor.u32 v0, v33  }
0x105: {  	v29 =	vadd.f32 v39, v26;
	v28 =	vadd.f32 v40, v21;
	v45 =	vld.idx.msk [tilespmem:v47+s16+$0x0], $0xffff;
	v60 =	vor.u32 v1, v33  }
0x106: {  	[tilespmem:v47+s26+$0x0] =	vst.idx.msk $0xffff, v18;
	v31 =	vor.u32 v2, v33;
	v30 =	vor.u32 v3, v33  }
0x107: {  	v61 =	vor.u32 v4, v33;
	v62 =	vor.u32 v5, v33;
	v32 =	vld.idx.msk [tilespmem:v49+s16+$0x0], $0xffff;
	[tilespmem:v49+s26+$0x0] =	vst.idx.msk $0xffff, v16  }
0x108: {  	v57 =	vor.u32 v6, v33;
	v26 =	vor.u32 v8, v33;
	v49 =	vld.idx.msk [tilespmem:v51+s16+$0x0], $0xffff;
	[tilespmem:v51+s26+$0x0] =	vst.idx.msk $0xffff, v19  }
0x109: {  	v63 =	vor.u32 v9, v33;
	v21 =	vadd.f32 v44, v20;
	v51 =	vld.idx.msk [tilespmem:v48+s16+$0x0], $0xffff;
	[tilespmem:v48+s26+$0x0] =	vst.idx.msk $0xffff, v52  }
0x10a: {  	v44 =	vor.u32 v13, v33;
	v18 =	vadd.f32 v45, v18;
	v48 =	vld.idx.msk [tilespmem:v60+s16+$0x0], $0xffff;
	[tilespmem:v60+s26+$0x0] =	vst.idx.msk $0xffff, v53  }
0x10b: {  	s9 =	simm.s32 $0x2;
	v47 =	vld.idx.msk [tilespmem:v31+s16+$0x0], $0xffff;
	[tilespmem:v31+s26+$0x0] =	vst.idx.msk $0xffff, v54;
	v31 =	vadd.f32 v37, v27;
	v27 =	vadd.f32 v41, v24  }
0x10c: {  	v20 =	vmov s9;
	v56 =	vld.idx.msk [tilespmem:v30+s16+$0x0], $0xffff;
	[tilespmem:v30+s26+$0x0] =	vst.idx.msk $0xffff, v55;
	v30 =	vadd.f32 v42, v25;
	v25 =	vor.u32 v7, v33  }
0x10d: {  	v45 =	vor.u32 v14, v33;
	v24 =	vadd.f32 v46, v23;
	v23 =	vadd.f32 v43, v17  }
0x10e: {  	v17 =	vadd.f32 v50, v22;
	v22 =	vshll.u32 v20, $0x8;
	v20 =	vshll.u32 v20, $0x7;
	v35 =	vld.idx.msk [tilespmem:v61+s16+$0x0], $0xffff;
	[tilespmem:v61+s26+$0x0] =	vst.idx.msk $0xffff, v31  }
0x10f: {  	v19 =	vadd.f32 v49, v19;
	v41 =	vor.u32 v10, v33;
	v36 =	vld.idx.msk [tilespmem:v62+s16+$0x0], $0xffff;
	[tilespmem:v62+s26+$0x0] =	vst.idx.msk $0xffff, v30  }
0x110: {  	v43 =	vor.u32 v12, v33;
	v42 =	vor.u32 v11, v33;
	v37 =	vld.idx.msk [tilespmem:v57+s16+$0x0], $0xffff;
	[tilespmem:v57+s26+$0x0] =	vst.idx.msk $0xffff, v29  }
0x111: {  	v22 =	vand.u32 $0x1800, v22;
	v38 =	vld.idx.msk [tilespmem:v25+s16+$0x0], $0xffff;
	[tilespmem:v25+s26+$0x0] =	vst.idx.msk $0xffff, v28;
	v25 =	vand.u32 $0x380, v20;
	v20 =	vadd.f32 v51, v52  }
0x112: {  	v34 =	vor.u32 v25, v22;
	v39 =	vld.idx.msk [tilespmem:v26+s16+$0x0], $0xffff;
	v22 =	vadd.f32 v48, v53;
	[tilespmem:v26+s26+$0x0] =	vst.idx.msk $0xffff, v27  }
0x113: {  	s9 =	simm.s32 $0x3;
	v25 =	vadd.f32 v47, v54;
	v26 =	vadd.f32 v56, v55;
	v40 =	vld.idx.msk [tilespmem:v63+s16+$0x0], $0xffff;
	[tilespmem:v63+s26+$0x0] =	vst.idx.msk $0xffff, v24  }
.LBB2_15:
0x114: {  	p2 =	sne.s32 s9, $0x1F;
	v31 =	vadd.f32 v35, v31;
	v35 =	vld.idx.msk [tilespmem:v41+s16+$0x0], $0xffff;
	[tilespmem:v41+s26+$0x0] =	vst.idx.msk $0xffff, v23;
	v41 =	vor.u32 v15, v33  }
0x115: {  	v46 =	vor.u32 v0, v34;
	v30 =	vadd.f32 v36, v30;
	v36 =	vld.idx.msk [tilespmem:v42+s16+$0x0], $0xffff;
	[tilespmem:v42+s26+$0x0] =	vst.idx.msk $0xffff, v21  }
0x116: {  	v16 =	vadd.f32 v32, v16;
	v29 =	vadd.f32 v37, v29;
	v37 =	vld.idx.msk [tilespmem:v43+s16+$0x0], $0xffff;
	[tilespmem:v43+s26+$0x0] =	vst.idx.msk $0xffff, v17  }
0x117: {  	v33 =	vmov v34;
	v28 =	vadd.f32 v38, v28;
	v38 =	vld.idx.msk [tilespmem:v44+s16+$0x0], $0xffff;
	[tilespmem:v44+s26+$0x0] =	vst.idx.msk $0xffff, v18  }
0x118: {  	v34 =	vor.u32 v1, v33;
	v27 =	vadd.f32 v39, v27;
	v32 =	vld.idx.msk [tilespmem:v45+s16+$0x0], $0xffff;
	[tilespmem:v45+s26+$0x0] =	vst.idx.msk $0xffff, v16  }
0x119: {  	v39 =	vor.u32 v2, v33;
	v24 =	vadd.f32 v40, v24;
	v40 =	vld.idx.msk [tilespmem:v41+s16+$0x0], $0xffff;
	[tilespmem:v41+s26+$0x0] =	vst.idx.msk $0xffff, v19  }
0x11a: {  	v42 =	vor.u32 v3, v33;
	v23 =	vadd.f32 v35, v23;
	v41 =	vld.idx.msk [tilespmem:v46+s16+$0x0], $0xffff  }
0x11b: {  	v43 =	vor.u32 v4, v33;
	v21 =	vadd.f32 v36, v21  }
0x11c: {  	v44 =	vor.u32 v5, v33;
	v17 =	vadd.f32 v37, v17;
	[tilespmem:v46+s26+$0x0] =	vst.idx.msk $0xffff, v20  }
0x11d: {  	v35 =	vmov s9;
	v46 =	vor.u32 v6, v33;
	v18 =	vadd.f32 v38, v18;
	v45 =	vld.idx.msk [tilespmem:v34+s16+$0x0], $0xffff;
	[tilespmem:v34+s26+$0x0] =	vst.idx.msk $0xffff, v22  }
0x11e: {  	v36 =	vshll.u32 v35, $0x7;
	v34 =	vshll.u32 v35, $0x8;
	v47 =	vld.idx.msk [tilespmem:v39+s16+$0x0], $0xffff;
	[tilespmem:v39+s26+$0x0] =	vst.idx.msk $0xffff, v25;
	v39 =	vor.u32 v7, v33  }
0x11f: {  	v49 =	vor.u32 v8, v33;
	v19 =	vadd.f32 v40, v19;
	v48 =	vld.idx.msk [tilespmem:v42+s16+$0x0], $0xffff;
	[tilespmem:v42+s26+$0x0] =	vst.idx.msk $0xffff, v26  }
0x120: {  	v50 =	vor.u32 v9, v33;
	v20 =	vadd.f32 v41, v20;
	v35 =	vld.idx.msk [tilespmem:v43+s16+$0x0], $0xffff;
	[tilespmem:v43+s26+$0x0] =	vst.idx.msk $0xffff, v31  }
.Ltmp10:
0x121: {  	v37 =	vand.u32 $0x380, v36;
	v34 =	vand.u32 $0x1800, v34;
	v41 =	vor.u32 v10, v33;
	v36 =	vld.idx.msk [tilespmem:v44+s16+$0x0], $0xffff;
	[tilespmem:v44+s26+$0x0] =	vst.idx.msk $0xffff, v30;
	(pc) =	sbr.rel @p2 .LBB2_15-.Ltmp10, $4  }
0x122: {  	v34 =	vor.u32 v37, v34;
	v42 =	vor.u32 v11, v33;
	v37 =	vld.idx.msk [tilespmem:v46+s16+$0x0], $0xffff;
	[tilespmem:v46+s26+$0x0] =	vst.idx.msk $0xffff, v29  }
0x123: {  	v43 =	vor.u32 v12, v33;
	v22 =	vadd.f32 v45, v22;
	v38 =	vld.idx.msk [tilespmem:v39+s16+$0x0], $0xffff;
	[tilespmem:v39+s26+$0x0] =	vst.idx.msk $0xffff, v28  }
0x124: {  	v44 =	vor.u32 v13, v33;
	v25 =	vadd.f32 v47, v25;
	v39 =	vld.idx.msk [tilespmem:v49+s16+$0x0], $0xffff;
	[tilespmem:v49+s26+$0x0] =	vst.idx.msk $0xffff, v27  }
0x125: {  	s9 =	sadd.s32 $0x1, s9;
	v45 =	vor.u32 v14, v33;
	v26 =	vadd.f32 v48, v26;
	v40 =	vld.idx.msk [tilespmem:v50+s16+$0x0], $0xffff;
	[tilespmem:v50+s26+$0x0] =	vst.idx.msk $0xffff, v24  }
0x126: {  	_ =	sdelay $0x3  }
0x127: {  	v46 =	vld.idx.msk [tilespmem:v41+s16+$0x0], $0xffff;
	[tilespmem:v41+s26+$0x0] =	vst.idx.msk $0xffff, v23;
	v33 =	vor.u32 v15, v33  }
0x128: {  	v47 =	vor.u32 v0, v34;
	v41 =	vld.idx.msk [tilespmem:v42+s16+$0x0], $0xffff;
	[tilespmem:v42+s26+$0x0] =	vst.idx.msk $0xffff, v21  }
0x129: {  	v16 =	vadd.f32 v32, v16;
	v59 =	vor.u32 v1, v34;
	v42 =	vld.idx.msk [tilespmem:v43+s16+$0x0], $0xffff;
	[tilespmem:v43+s26+$0x0] =	vst.idx.msk $0xffff, v17  }
0x12a: {  	v48 =	vor.u32 v2, v34;
	v43 =	vld.idx.msk [tilespmem:v44+s16+$0x0], $0xffff;
	[tilespmem:v44+s26+$0x0] =	vst.idx.msk $0xffff, v18  }
0x12b: {  	v49 =	vor.u32 v3, v34;
	v63 =	vld.idx.msk [tilespmem:v45+s16+$0x0], $0xffff;
	[tilespmem:v45+s26+$0x0] =	vst.idx.msk $0xffff, v16  }
0x12c: {  	v50 =	vor.u32 v4, v34;
	v45 =	vld.idx.msk [tilespmem:v33+s16+$0x0], $0xffff;
	[tilespmem:v33+s26+$0x0] =	vst.idx.msk $0xffff, v19  }
0x12d: {  	v51 =	vor.u32 v5, v34;
	v33 =	vld.idx.msk [tilespmem:v47+s16+$0x0], $0xffff;
	[tilespmem:v47+s26+$0x0] =	vst.idx.msk $0xffff, v20  }
0x12e: {  	v35 =	vadd.f32 v35, v31;
	v31 =	vor.u32 v6, v34;
	v47 =	vld.idx.msk [tilespmem:v59+s16+$0x0], $0xffff;
	[tilespmem:v59+s26+$0x0] =	vst.idx.msk $0xffff, v22  }
0x12f: {  	v36 =	vadd.f32 v36, v30;
	v30 =	vor.u32 v7, v34;
	v44 =	vld.idx.msk [tilespmem:v48+s16+$0x0], $0xffff;
	[tilespmem:v48+s26+$0x0] =	vst.idx.msk $0xffff, v25  }
0x130: {  	v37 =	vadd.f32 v37, v29;
	v29 =	vor.u32 v8, v34;
	v48 =	vld.idx.msk [tilespmem:v49+s16+$0x0], $0xffff;
	[tilespmem:v49+s26+$0x0] =	vst.idx.msk $0xffff, v26  }
0x131: {  	v38 =	vadd.f32 v38, v28;
	v28 =	vor.u32 v9, v34;
	v49 =	vld.idx.msk [tilespmem:v50+s16+$0x0], $0xffff;
	[tilespmem:v50+s26+$0x0] =	vst.idx.msk $0xffff, v35  }
0x132: {  	v39 =	vadd.f32 v39, v27;
	v27 =	vor.u32 v10, v34;
	v50 =	vld.idx.msk [tilespmem:v51+s16+$0x0], $0xffff;
	[tilespmem:v51+s26+$0x0] =	vst.idx.msk $0xffff, v36  }
0x133: {  	v40 =	vadd.f32 v40, v24;
	v24 =	vor.u32 v11, v34;
	v51 =	vld.idx.msk [tilespmem:v31+s16+$0x0], $0xffff;
	[tilespmem:v31+s26+$0x0] =	vst.idx.msk $0xffff, v37  }
0x134: {  	v46 =	vadd.f32 v46, v23;
	v23 =	vor.u32 v12, v34;
	v52 =	vld.idx.msk [tilespmem:v30+s16+$0x0], $0xffff;
	[tilespmem:v30+s26+$0x0] =	vst.idx.msk $0xffff, v38  }
0x135: {  	v41 =	vadd.f32 v41, v21;
	v21 =	vor.u32 v13, v34;
	v53 =	vld.idx.msk [tilespmem:v29+s16+$0x0], $0xffff;
	[tilespmem:v29+s26+$0x0] =	vst.idx.msk $0xffff, v39  }
0x136: {  	v42 =	vadd.f32 v42, v17;
	v17 =	vor.u32 v14, v34;
	v54 =	vld.idx.msk [tilespmem:v28+s16+$0x0], $0xffff;
	[tilespmem:v28+s26+$0x0] =	vst.idx.msk $0xffff, v40  }
0x137: {  	v60 =	vor.u32 v15, v34;
	v55 =	vld.idx.msk [tilespmem:v27+s16+$0x0], $0xffff;
	[tilespmem:v27+s26+$0x0] =	vst.idx.msk $0xffff, v46  }
0x138: {  	v18 =	vadd.f32 v43, v18;
	v56 =	vld.idx.msk [tilespmem:v24+s16+$0x0], $0xffff;
	[tilespmem:v24+s26+$0x0] =	vst.idx.msk $0xffff, v41  }
0x139: {  	v16 =	vadd.f32 v63, v16;
	v19 =	vadd.f32 v45, v19;
	v57 =	vld.idx.msk [tilespmem:v23+s16+$0x0], $0xffff;
	[tilespmem:v23+s26+$0x0] =	vst.idx.msk $0xffff, v42  }
0x13a: {  	v31 =	vadd.f32 v33, v20;
	v30 =	vadd.f32 v47, v22;
	v61 =	vld.idx.msk [tilespmem:v21+s16+$0x0], $0xffff;
	[tilespmem:v21+s26+$0x0] =	vst.idx.msk $0xffff, v18  }
0x13b: {  	v29 =	vadd.f32 v44, v25;
	v28 =	vadd.f32 v48, v26;
	v62 =	vld.idx.msk [tilespmem:v17+s16+$0x0], $0xffff;
	[tilespmem:v17+s26+$0x0] =	vst.idx.msk $0xffff, v16  }
0x13c: {  	v27 =	vadd.f32 v49, v35;
	v25 =	vadd.f32 v50, v36;
	v63 =	vld.idx.msk [tilespmem:v60+s16+$0x0], $0xffff  }
.Ltmp11:
0x13d: {  	v26 =	vadd.f32 v51, v37;
	v21 =	vadd.f32 v52, v38;
	(pc) =	sbr.rel @p1 .LBB2_18-.Ltmp11, $4  }
0x13e: {  	v24 =	vadd.f32 v53, v39;
	v23 =	vadd.f32 v54, v40  }
0x13f: {  	s9 =	sor.u32 $0x4000, s8;
	v17 =	vadd.f32 v55, v46;
	v20 =	vadd.f32 v56, v41  }
0x140: {  	s9 =	sadd.s32 s3, s9;
	[tilespmem:v60+s26+$0x0] =	vst.idx.msk $0xffff, v19;
	v22 =	vadd.f32 v57, v42;
	v18 =	vadd.f32 v61, v18  }
0x141: {  	[hbm4b:s9+s15] =	stream.strided.scatter [tilespmem:s26], [sflag:$0x7], $0x2000, s16, s15, $0x38;
	v16 =	vadd.f32 v62, v16;
	v19 =	vadd.f32 v63, v19;
	[tilespmem:$0x10000] =	vst v63  }
.Ltmp12:
0x142: {  	(pc) =	sbr.rel .LBB2_19-.Ltmp12, $4  }
0x143: {  	_ = 	snop  }
0x144: {  	_ =	swait.ge [sflag:s28], $0x2000  }
0x145: {  	[sflag:s28] =	ssyncset.done $0x0  }
0x146: {  	[sflag:s28] =	ssyncadd.s32 $0xFFFFE000  }
.LBB2_18:
0x147: {  	s9 =	sadd.s32 s7, s12  }
0x148: {  	s9 =	sshrl.u32 s9, $0x3  }
.Ltmp13:
0x149: {  	s9 =	sadd.s32 s2, s9;
	(pc) =	sbr.rel @p0 .LBB2_20-.Ltmp13, $4  }
0x14a: {  	[tilespmem:s16], [sflag:$0x3] =	stream.strided.gather [hbm4b:s9+s15], $0x2000, s16, s15, $0x38;
	[tilespmem:$0x10000] =	vst v63  }
0x14b: {  	_ =	swait.ge [sflag:s28], $0x2000  }
0x14c: {  	[sflag:s28] =	ssyncset.done $0x0  }
0x14d: {  	[sflag:s28] =	ssyncadd.s32 $0xFFFFE000  }
.LBB2_19:
0x14e: {  	_ =	swait.ge [sflag:s29], $0x2000  }
0x14f: {  	[sflag:s29] =	ssyncset.done $0x0  }
0x150: {  	[sflag:s29] =	ssyncadd.s32 $0xFFFFE000  }
.LBB2_20:
0x151: {  	s9 =	simm.s32 $0x0  }
0x152: {  	v32 =	vmov s9  }
0x153: {  	v33 =	vshll.u32 v32, $0x8;
	v32 =	vshll.u32 v32, $0x7  }
0x154: {  	v33 =	vand.u32 $0x1800, v33;
	v32 =	vand.u32 $0x380, v32  }
0x155: {  	v32 =	vor.u32 v32, v33  }
0x156: {  	v33 =	vor.u32 v0, v32  }
0x157: {  	v34 =	vor.u32 v1, v32  }
0x158: {  	v35 =	vor.u32 v2, v32  }
0x159: {  	v37 =	vor.u32 v3, v32  }
0x15a: {  	v56 =	vor.u32 v4, v32  }
0x15b: {  	v39 =	vor.u32 v5, v32;
	v36 =	vld.idx.msk [tilespmem:v33+s18+$0x0], $0xffff;
	[tilespmem:v33+s30+$0x0] =	vst.idx.msk $0xffff, v31  }
0x15c: {  	v40 =	vor.u32 v6, v32;
	v38 =	vld.idx.msk [tilespmem:v34+s18+$0x0], $0xffff;
	[tilespmem:v34+s30+$0x0] =	vst.idx.msk $0xffff, v30  }
0x15d: {  	v41 =	vor.u32 v7, v32;
	v34 =	vld.idx.msk [tilespmem:v35+s18+$0x0], $0xffff;
	[tilespmem:v35+s30+$0x0] =	vst.idx.msk $0xffff, v29  }
0x15e: {  	v57 =	vor.u32 v8, v32;
	v35 =	vld.idx.msk [tilespmem:v37+s18+$0x0], $0xffff;
	[tilespmem:v37+s30+$0x0] =	vst.idx.msk $0xffff, v28  }
0x15f: {  	v43 =	vor.u32 v9, v32;
	v37 =	vld.idx.msk [tilespmem:v56+s18+$0x0], $0xffff;
	[tilespmem:v56+s30+$0x0] =	vst.idx.msk $0xffff, v27  }
0x160: {  	v44 =	vor.u32 v10, v32;
	v42 =	vld.idx.msk [tilespmem:v39+s18+$0x0], $0xffff;
	[tilespmem:v39+s30+$0x0] =	vst.idx.msk $0xffff, v25  }
0x161: {  	v45 =	vor.u32 v11, v32;
	v39 =	vld.idx.msk [tilespmem:v40+s18+$0x0], $0xffff;
	[tilespmem:v40+s30+$0x0] =	vst.idx.msk $0xffff, v26  }
0x162: {  	s9 =	simm.s32 $0x1;
	v40 =	vld.idx.msk [tilespmem:v41+s18+$0x0], $0xffff;
	[tilespmem:v41+s30+$0x0] =	vst.idx.msk $0xffff, v21  }
0x163: {  	v48 =	vmov s9;
	v58 =	vor.u32 v12, v32;
	v41 =	vld.idx.msk [tilespmem:v57+s18+$0x0], $0xffff;
	[tilespmem:v57+s30+$0x0] =	vst.idx.msk $0xffff, v24  }
0x164: {  	v59 =	vshll.u32 v48, $0x8;
	v48 =	vshll.u32 v48, $0x7;
	v47 =	vor.u32 v13, v32;
	v46 =	vld.idx.msk [tilespmem:v43+s18+$0x0], $0xffff;
	[tilespmem:v43+s30+$0x0] =	vst.idx.msk $0xffff, v23  }
0x165: {  	v49 =	vor.u32 v14, v32;
	v51 =	vor.u32 v15, v32;
	v43 =	vld.idx.msk [tilespmem:v44+s18+$0x0], $0xffff;
	[tilespmem:v44+s30+$0x0] =	vst.idx.msk $0xffff, v17  }
0x166: {  	v48 =	vand.u32 $0x380, v48;
	v52 =	vadd.f32 v36, v31;
	v44 =	vld.idx.msk [tilespmem:v45+s18+$0x0], $0xffff;
	[tilespmem:v45+s30+$0x0] =	vst.idx.msk $0xffff, v20;
	v45 =	vand.u32 $0x1800, v59  }
0x167: {  	v53 =	vadd.f32 v38, v30;
	v54 =	vadd.f32 v34, v29;
	v33 =	vor.u32 v48, v45  }
0x168: {  	v55 =	vadd.f32 v35, v28;
	v50 =	vld.idx.msk [tilespmem:v58+s18+$0x0], $0xffff;
	[tilespmem:v58+s30+$0x0] =	vst.idx.msk $0xffff, v22;
	v48 =	vor.u32 v0, v33  }
0x169: {  	v29 =	vadd.f32 v39, v26;
	v28 =	vadd.f32 v40, v21;
	v45 =	vld.idx.msk [tilespmem:v47+s18+$0x0], $0xffff;
	v60 =	vor.u32 v1, v33  }
0x16a: {  	[tilespmem:v47+s30+$0x0] =	vst.idx.msk $0xffff, v18;
	v31 =	vor.u32 v2, v33;
	v30 =	vor.u32 v3, v33  }
0x16b: {  	v61 =	vor.u32 v4, v33;
	v62 =	vor.u32 v5, v33;
	v32 =	vld.idx.msk [tilespmem:v49+s18+$0x0], $0xffff;
	[tilespmem:v49+s30+$0x0] =	vst.idx.msk $0xffff, v16  }
0x16c: {  	v57 =	vor.u32 v6, v33;
	v26 =	vor.u32 v8, v33;
	v49 =	vld.idx.msk [tilespmem:v51+s18+$0x0], $0xffff;
	[tilespmem:v51+s30+$0x0] =	vst.idx.msk $0xffff, v19  }
0x16d: {  	v63 =	vor.u32 v9, v33;
	v21 =	vadd.f32 v44, v20;
	v51 =	vld.idx.msk [tilespmem:v48+s18+$0x0], $0xffff;
	[tilespmem:v48+s30+$0x0] =	vst.idx.msk $0xffff, v52  }
0x16e: {  	v44 =	vor.u32 v13, v33;
	v18 =	vadd.f32 v45, v18;
	v48 =	vld.idx.msk [tilespmem:v60+s18+$0x0], $0xffff;
	[tilespmem:v60+s30+$0x0] =	vst.idx.msk $0xffff, v53  }
0x16f: {  	s9 =	simm.s32 $0x2;
	v47 =	vld.idx.msk [tilespmem:v31+s18+$0x0], $0xffff;
	[tilespmem:v31+s30+$0x0] =	vst.idx.msk $0xffff, v54;
	v31 =	vadd.f32 v37, v27;
	v27 =	vadd.f32 v41, v24  }
0x170: {  	v20 =	vmov s9;
	v56 =	vld.idx.msk [tilespmem:v30+s18+$0x0], $0xffff;
	[tilespmem:v30+s30+$0x0] =	vst.idx.msk $0xffff, v55;
	v30 =	vadd.f32 v42, v25;
	v25 =	vor.u32 v7, v33  }
0x171: {  	v45 =	vor.u32 v14, v33;
	v24 =	vadd.f32 v46, v23;
	v23 =	vadd.f32 v43, v17  }
0x172: {  	v17 =	vadd.f32 v50, v22;
	v22 =	vshll.u32 v20, $0x8;
	v20 =	vshll.u32 v20, $0x7;
	v35 =	vld.idx.msk [tilespmem:v61+s18+$0x0], $0xffff;
	[tilespmem:v61+s30+$0x0] =	vst.idx.msk $0xffff, v31  }
0x173: {  	v19 =	vadd.f32 v49, v19;
	v41 =	vor.u32 v10, v33;
	v36 =	vld.idx.msk [tilespmem:v62+s18+$0x0], $0xffff;
	[tilespmem:v62+s30+$0x0] =	vst.idx.msk $0xffff, v30  }
0x174: {  	v43 =	vor.u32 v12, v33;
	v42 =	vor.u32 v11, v33;
	v37 =	vld.idx.msk [tilespmem:v57+s18+$0x0], $0xffff;
	[tilespmem:v57+s30+$0x0] =	vst.idx.msk $0xffff, v29  }
0x175: {  	v22 =	vand.u32 $0x1800, v22;
	v38 =	vld.idx.msk [tilespmem:v25+s18+$0x0], $0xffff;
	[tilespmem:v25+s30+$0x0] =	vst.idx.msk $0xffff, v28;
	v25 =	vand.u32 $0x380, v20;
	v20 =	vadd.f32 v51, v52  }
0x176: {  	v34 =	vor.u32 v25, v22;
	v39 =	vld.idx.msk [tilespmem:v26+s18+$0x0], $0xffff;
	v22 =	vadd.f32 v48, v53;
	[tilespmem:v26+s30+$0x0] =	vst.idx.msk $0xffff, v27  }
0x177: {  	s9 =	simm.s32 $0x3;
	v25 =	vadd.f32 v47, v54;
	v26 =	vadd.f32 v56, v55;
	v40 =	vld.idx.msk [tilespmem:v63+s18+$0x0], $0xffff;
	[tilespmem:v63+s30+$0x0] =	vst.idx.msk $0xffff, v24  }
.LBB2_21:
0x178: {  	p0 =	sne.s32 s9, $0x1F;
	v31 =	vadd.f32 v35, v31;
	v35 =	vld.idx.msk [tilespmem:v41+s18+$0x0], $0xffff;
	[tilespmem:v41+s30+$0x0] =	vst.idx.msk $0xffff, v23;
	v41 =	vor.u32 v15, v33  }
0x179: {  	v46 =	vor.u32 v0, v34;
	v30 =	vadd.f32 v36, v30;
	v36 =	vld.idx.msk [tilespmem:v42+s18+$0x0], $0xffff;
	[tilespmem:v42+s30+$0x0] =	vst.idx.msk $0xffff, v21  }
0x17a: {  	v16 =	vadd.f32 v32, v16;
	v29 =	vadd.f32 v37, v29;
	v37 =	vld.idx.msk [tilespmem:v43+s18+$0x0], $0xffff;
	[tilespmem:v43+s30+$0x0] =	vst.idx.msk $0xffff, v17  }
0x17b: {  	v33 =	vmov v34;
	v28 =	vadd.f32 v38, v28;
	v38 =	vld.idx.msk [tilespmem:v44+s18+$0x0], $0xffff;
	[tilespmem:v44+s30+$0x0] =	vst.idx.msk $0xffff, v18  }
0x17c: {  	v34 =	vor.u32 v1, v33;
	v27 =	vadd.f32 v39, v27;
	v32 =	vld.idx.msk [tilespmem:v45+s18+$0x0], $0xffff;
	[tilespmem:v45+s30+$0x0] =	vst.idx.msk $0xffff, v16  }
0x17d: {  	v39 =	vor.u32 v2, v33;
	v24 =	vadd.f32 v40, v24;
	v40 =	vld.idx.msk [tilespmem:v41+s18+$0x0], $0xffff;
	[tilespmem:v41+s30+$0x0] =	vst.idx.msk $0xffff, v19  }
0x17e: {  	v42 =	vor.u32 v3, v33;
	v23 =	vadd.f32 v35, v23;
	v41 =	vld.idx.msk [tilespmem:v46+s18+$0x0], $0xffff  }
0x17f: {  	v43 =	vor.u32 v4, v33;
	v21 =	vadd.f32 v36, v21  }
0x180: {  	v44 =	vor.u32 v5, v33;
	v17 =	vadd.f32 v37, v17;
	[tilespmem:v46+s30+$0x0] =	vst.idx.msk $0xffff, v20  }
0x181: {  	v35 =	vmov s9;
	v46 =	vor.u32 v6, v33;
	v18 =	vadd.f32 v38, v18;
	v45 =	vld.idx.msk [tilespmem:v34+s18+$0x0], $0xffff;
	[tilespmem:v34+s30+$0x0] =	vst.idx.msk $0xffff, v22  }
0x182: {  	v36 =	vshll.u32 v35, $0x7;
	v34 =	vshll.u32 v35, $0x8;
	v47 =	vld.idx.msk [tilespmem:v39+s18+$0x0], $0xffff;
	[tilespmem:v39+s30+$0x0] =	vst.idx.msk $0xffff, v25;
	v39 =	vor.u32 v7, v33  }
0x183: {  	v49 =	vor.u32 v8, v33;
	v19 =	vadd.f32 v40, v19;
	v48 =	vld.idx.msk [tilespmem:v42+s18+$0x0], $0xffff;
	[tilespmem:v42+s30+$0x0] =	vst.idx.msk $0xffff, v26  }
0x184: {  	v50 =	vor.u32 v9, v33;
	v20 =	vadd.f32 v41, v20;
	v35 =	vld.idx.msk [tilespmem:v43+s18+$0x0], $0xffff;
	[tilespmem:v43+s30+$0x0] =	vst.idx.msk $0xffff, v31  }
.Ltmp14:
0x185: {  	v37 =	vand.u32 $0x380, v36;
	v34 =	vand.u32 $0x1800, v34;
	v41 =	vor.u32 v10, v33;
	v36 =	vld.idx.msk [tilespmem:v44+s18+$0x0], $0xffff;
	[tilespmem:v44+s30+$0x0] =	vst.idx.msk $0xffff, v30;
	(pc) =	sbr.rel @p0 .LBB2_21-.Ltmp14, $4  }
0x186: {  	v34 =	vor.u32 v37, v34;
	v42 =	vor.u32 v11, v33;
	v37 =	vld.idx.msk [tilespmem:v46+s18+$0x0], $0xffff;
	[tilespmem:v46+s30+$0x0] =	vst.idx.msk $0xffff, v29  }
0x187: {  	v43 =	vor.u32 v12, v33;
	v22 =	vadd.f32 v45, v22;
	v38 =	vld.idx.msk [tilespmem:v39+s18+$0x0], $0xffff;
	[tilespmem:v39+s30+$0x0] =	vst.idx.msk $0xffff, v28  }
0x188: {  	v44 =	vor.u32 v13, v33;
	v25 =	vadd.f32 v47, v25;
	v39 =	vld.idx.msk [tilespmem:v49+s18+$0x0], $0xffff;
	[tilespmem:v49+s30+$0x0] =	vst.idx.msk $0xffff, v27  }
0x189: {  	s9 =	sadd.s32 $0x1, s9;
	v45 =	vor.u32 v14, v33;
	v26 =	vadd.f32 v48, v26;
	v40 =	vld.idx.msk [tilespmem:v50+s18+$0x0], $0xffff;
	[tilespmem:v50+s30+$0x0] =	vst.idx.msk $0xffff, v24  }
0x18a: {  	_ =	sdelay $0x3  }
0x18b: {  	v46 =	vld.idx.msk [tilespmem:v41+s18+$0x0], $0xffff;
	[tilespmem:v41+s30+$0x0] =	vst.idx.msk $0xffff, v23;
	v33 =	vor.u32 v15, v33  }
0x18c: {  	v47 =	vor.u32 v0, v34;
	v41 =	vld.idx.msk [tilespmem:v42+s18+$0x0], $0xffff;
	[tilespmem:v42+s30+$0x0] =	vst.idx.msk $0xffff, v21  }
0x18d: {  	v16 =	vadd.f32 v32, v16;
	v58 =	vor.u32 v1, v34;
	v42 =	vld.idx.msk [tilespmem:v43+s18+$0x0], $0xffff;
	[tilespmem:v43+s30+$0x0] =	vst.idx.msk $0xffff, v17  }
0x18e: {  	v48 =	vor.u32 v2, v34;
	v43 =	vld.idx.msk [tilespmem:v44+s18+$0x0], $0xffff;
	[tilespmem:v44+s30+$0x0] =	vst.idx.msk $0xffff, v18  }
0x18f: {  	v49 =	vor.u32 v3, v34;
	v63 =	vld.idx.msk [tilespmem:v45+s18+$0x0], $0xffff;
	[tilespmem:v45+s30+$0x0] =	vst.idx.msk $0xffff, v16  }
0x190: {  	v50 =	vor.u32 v4, v34;
	v45 =	vld.idx.msk [tilespmem:v33+s18+$0x0], $0xffff;
	[tilespmem:v33+s30+$0x0] =	vst.idx.msk $0xffff, v19  }
0x191: {  	v51 =	vor.u32 v5, v34;
	v33 =	vld.idx.msk [tilespmem:v47+s18+$0x0], $0xffff;
	[tilespmem:v47+s30+$0x0] =	vst.idx.msk $0xffff, v20  }
0x192: {  	v35 =	vadd.f32 v35, v31;
	v31 =	vor.u32 v6, v34;
	v47 =	vld.idx.msk [tilespmem:v58+s18+$0x0], $0xffff;
	[tilespmem:v58+s30+$0x0] =	vst.idx.msk $0xffff, v22  }
0x193: {  	v36 =	vadd.f32 v36, v30;
	v30 =	vor.u32 v7, v34;
	v44 =	vld.idx.msk [tilespmem:v48+s18+$0x0], $0xffff;
	[tilespmem:v48+s30+$0x0] =	vst.idx.msk $0xffff, v25  }
0x194: {  	v37 =	vadd.f32 v37, v29;
	v29 =	vor.u32 v8, v34;
	v48 =	vld.idx.msk [tilespmem:v49+s18+$0x0], $0xffff;
	[tilespmem:v49+s30+$0x0] =	vst.idx.msk $0xffff, v26  }
0x195: {  	v38 =	vadd.f32 v38, v28;
	v28 =	vor.u32 v9, v34;
	v49 =	vld.idx.msk [tilespmem:v50+s18+$0x0], $0xffff;
	[tilespmem:v50+s30+$0x0] =	vst.idx.msk $0xffff, v35  }
0x196: {  	v39 =	vadd.f32 v39, v27;
	v27 =	vor.u32 v10, v34;
	v50 =	vld.idx.msk [tilespmem:v51+s18+$0x0], $0xffff;
	[tilespmem:v51+s30+$0x0] =	vst.idx.msk $0xffff, v36  }
0x197: {  	v51 =	vld.idx.msk [tilespmem:v31+s18+$0x0], $0xffff;
	[tilespmem:v31+s30+$0x0] =	vst.idx.msk $0xffff, v37  }
0x198: {  	v40 =	vadd.f32 v40, v24;
	v24 =	vor.u32 v11, v34;
	v52 =	vld.idx.msk [tilespmem:v30+s18+$0x0], $0xffff;
	[tilespmem:v30+s30+$0x0] =	vst.idx.msk $0xffff, v38  }
0x199: {  	v46 =	vadd.f32 v46, v23;
	v23 =	vor.u32 v12, v34;
	v53 =	vld.idx.msk [tilespmem:v29+s18+$0x0], $0xffff;
	[tilespmem:v29+s30+$0x0] =	vst.idx.msk $0xffff, v39  }
0x19a: {  	v41 =	vadd.f32 v41, v21;
	v21 =	vor.u32 v13, v34;
	v54 =	vld.idx.msk [tilespmem:v28+s18+$0x0], $0xffff;
	[tilespmem:v28+s30+$0x0] =	vst.idx.msk $0xffff, v40  }
0x19b: {  	v55 =	vld.idx.msk [tilespmem:v27+s18+$0x0], $0xffff;
	[tilespmem:v27+s30+$0x0] =	vst.idx.msk $0xffff, v46;
	v27 =	vor.u32 v14, v34  }
0x19c: {  	v60 =	vor.u32 v15, v34;
	v17 =	vadd.f32 v42, v17  }
0x19d: {  	v18 =	vadd.f32 v43, v18;
	v56 =	vld.idx.msk [tilespmem:v24+s18+$0x0], $0xffff;
	[tilespmem:v24+s30+$0x0] =	vst.idx.msk $0xffff, v41  }
0x19e: {  	v16 =	vadd.f32 v63, v16;
	v19 =	vadd.f32 v45, v19;
	v59 =	vld.idx.msk [tilespmem:v23+s18+$0x0], $0xffff;
	[tilespmem:v23+s30+$0x0] =	vst.idx.msk $0xffff, v17  }
0x19f: {  	v31 =	vadd.f32 v33, v20;
	v30 =	vadd.f32 v47, v22;
	v61 =	vld.idx.msk [tilespmem:v21+s18+$0x0], $0xffff;
	[tilespmem:v21+s30+$0x0] =	vst.idx.msk $0xffff, v18  }
0x1a0: {  	v29 =	vadd.f32 v44, v25;
	v28 =	vadd.f32 v48, v26;
	v62 =	vld.idx.msk [tilespmem:v27+s18+$0x0], $0xffff;
	[tilespmem:v27+s30+$0x0] =	vst.idx.msk $0xffff, v16  }
0x1a1: {  	p0 =	seq.s32 s0, $0x1F;
	v26 =	vadd.f32 v50, v36;
	v25 =	vadd.f32 v51, v37;
	v63 =	vld.idx.msk [tilespmem:v60+s18+$0x0], $0xffff  }
.Ltmp15:
0x1a2: {  	v24 =	vadd.f32 v52, v38;
	v23 =	vadd.f32 v53, v39;
	(pc) =	sbr.rel @p0 .LBB2_24-.Ltmp15, $4  }
0x1a3: {  	v22 =	vadd.f32 v54, v40;
	v27 =	vadd.f32 v49, v35  }
0x1a4: {  	s8 =	sor.u32 $0x6000, s8;
	v21 =	vadd.f32 v55, v46;
	v20 =	vadd.f32 v56, v41  }
0x1a5: {  	s8 =	sadd.s32 s3, s8;
	[tilespmem:v60+s30+$0x0] =	vst.idx.msk $0xffff, v19;
	v17 =	vadd.f32 v59, v17;
	v18 =	vadd.f32 v61, v18  }
0x1a6: {  	[hbm4b:s8+s15] =	stream.strided.scatter [tilespmem:s30], [sflag:$0x8], $0x2000, s16, s15, $0x38;
	v16 =	vadd.f32 v62, v16;
	v19 =	vadd.f32 v63, v19;
	[tilespmem:$0x10000] =	vst v63  }
.Ltmp16:
0x1a7: {  	(pc) =	sbr.rel .LBB2_2-.Ltmp16, $4  }
0x1a8: {  	s7 =	sadd.s32 s7, s13  }
0x1a9: {  	s7 =	sshrl.u32 s7, $0x3  }
0x1aa: {  	s0 =	sadd.s32 $0x1, s0;
	s7 =	sadd.s32 s2, s7  }
0x1ab: {  	[tilespmem:s18], [sflag:$0x4] =	stream.strided.gather [hbm4b:s7+s15], $0x2000, s16, s15, $0x38;
	[tilespmem:$0x10000] =	vst v63  }
.LBB2_25:
0x1ac: {  	_ =	sfence.sel $0x180000  }
0x1ad: {  	[bflag:$0x0] =	sbarrier.arrive $0xFFFF  }
0x1ae: {  	_ =	strace $0x90000047  }
0x1af: {  	s0 =	stileid.u32;
	[bflag:$0x2] =	sbarrier.arrive $0xFFFF  }
0x1b0: {  	p0 =	sne.s32 s0, $0x0;
	s0 =	rddreg [dreg:$0x2]  }
0x1b1: {  	s0 =	sadd.s32 @!p0 $0x100000, s0  }
0x1b2: {  	[sflag:s0] =	ssyncadd.tile.s32 @!p0 $0x1;
	_ =	shalt  }
.Lfunc_end2:
_tile_overlayer_lowered:
.L_overlay_start_2:
0x1b3: {  	(tag) =	ssettag $0x2  }
0x1b4: {  	s0 =	rddreg [dreg:$0x0];
	s2 =	stileid.u32  }
0x1b5: {  	s1 =	rddreg [dreg:$0x1];
	p0 =	sne.s32 s2, $0x0  }
0x1b6: {  	s3 =	rddreg [dreg:$0x2];
	[bflag:$0x3] =	sbarrier.arrive $0xFFFF;
	s2 =	simm.s32 @!p0 $0x1C09  }
0x1b7: {  	[timem:s3], [sflag:s2] =	dma.local @!p0 [hbm:s0], s1  }
0x1b8: {  	s0 =	simm.s32 @!p0 $0x9  }
0x1b9: {  	_ =	swait.ge @!p0 [sflag:s0], s1  }
0x1ba: {  	s1 =	ssub.s32 @!p0 $0x0, s1;
	[sflag:s0] =	ssyncset.done @!p0 $0x0  }
0x1bb: {  	[sflag:s0] =	ssyncadd.s32 @!p0 s1  }
0x1bc: {  	[bflag:$0x3] =	sbarrier.arrive $0xFFFF  }
0x1bd: {  	_ =	shalt  }

</sc_bundles>
